<compile_context>
chip_gen: v7x
topology: tpu7x:2x2x1
jax: 0.10.2.dev20260603
libtpu: 0.0.44.dev20260713+nightly
codegen_flags: <defaults>
</compile_context>

<pallas_src>
import jax
import jax.numpy as jnp
from jax import lax
from jax.experimental import pallas as pl
from jax.experimental.pallas import tpu as pltpu
from jax.experimental.pallas import tpu_sc as plsc

_V = 8192
_N = 16384
_NW = 32
_TPW = _N // _NW
_C = 4
_NCH = _TPW // _C
_LSE_BLK = 256


def _lse_body(tab_ref, lse_ref):
    rows = tab_ref[...]
    m = jnp.max(rows, axis=1, keepdims=True)
    s = jnp.sum(jnp.exp(rows - m), axis=1, keepdims=True)
    lse_ref[...] = m + jnp.log(s)


def _lse_table(table):
    return pl.pallas_call(
        _lse_body,
        grid=(_V // _LSE_BLK,),
        in_specs=[pl.BlockSpec((_LSE_BLK, _V), lambda i: (i, 0))],
        out_specs=pl.BlockSpec((_LSE_BLK, 1), lambda i: (i, 0)),
        out_shape=jax.ShapeDtypeStruct((_V, 1), jnp.float32),
    )(table)


def _sc_body(table, tflat, xflat, x2d, fidx, lse, out, partials,
             idx_v, idx2_v, fidx_v, lsev_v, tgt_v, acc_v, rows_v,
             gsem, osem, tsem):
    w = lax.axis_index("s") * 2 + lax.axis_index("c")
    base = pl.multiple_of(w * _TPW, _TPW)

    pltpu.sync_copy(xflat.at[pl.ds(base, _TPW)], idx_v)
    pltpu.sync_copy(x2d.at[pl.ds(w * _NCH, _NCH)], idx2_v)
    pltpu.sync_copy(fidx.at[pl.ds(base, _TPW)], fidx_v)

    for q in range(_TPW // 128):
        pltpu.async_copy(
            tflat.at[fidx_v.at[pl.ds(q * 128, 128)]],
            tgt_v.at[pl.ds(q * 128, 128)],
            tsem,
        )
        pltpu.async_copy(
            lse.at[idx_v.at[pl.ds(q * 128, 128)]],
            lsev_v.at[pl.ds(q * 128, 128)],
            tsem,
        )

    def g_src(g):
        return table.at[idx2_v.at[g]]

    def g_dst(g):
        return out.at[pl.ds(base + g * _C, _C)]

    pltpu.async_copy(g_src(0), rows_v.at[0], gsem.at[0])
    pltpu.async_copy(g_src(1), rows_v.at[1], gsem.at[1])

    def ring(g0, c):
        for b in range(2):
            g = g0 + b
            pltpu.make_async_copy(g_src(g), rows_v.at[b], gsem.at[b]).wait()
            pltpu.async_copy(rows_v.at[b], g_dst(g), osem.at[b])
        for b in range(2):
            g = g0 + b
            pltpu.make_async_copy(rows_v.at[b], g_dst(g), osem.at[b]).wait()

            @pl.when(g + 2 < _NCH)
            def _():
                pltpu.async_copy(g_src(g + 2), rows_v.at[b], gsem.at[b])

        return c

    for q in range(_TPW // 128):
        pltpu.make_async_copy(
            tflat.at[fidx_v.at[pl.ds(q * 128, 128)]],
            tgt_v.at[pl.ds(q * 128, 128)],
            tsem,
        ).wait()
        pltpu.make_async_copy(
            lse.at[idx_v.at[pl.ds(q * 128, 128)]],
            lsev_v.at[pl.ds(q * 128, 128)],
            tsem,
        ).wait()

    acc_v[...] = jnp.zeros((16,), jnp.float32)

    def loss_step(j, c):
        o = pl.multiple_of(j * 16, 16)
        lse_c = lsev_v[pl.ds(o, 16)]
        tgt_c = tgt_v[pl.ds(o, 16)]
        acc_v[...] = acc_v[...] + (lse_c - tgt_c)
        return c

    lax.fori_loop(0, _TPW // 16, loss_step, 0)

    lax.fori_loop(0, _NCH // 2, lambda i, c: ring(i * 2, c), 0)

    pltpu.sync_copy(acc_v, partials.at[w])


def _sc_stage(table, tflat, xflat, x2d, fidx, lse):
    mesh = plsc.VectorSubcoreMesh(core_axis_name="c", subcore_axis_name="s")
    f = pl.kernel(
        _sc_body,
        mesh=mesh,
        out_type=[
            jax.ShapeDtypeStruct((_N, _V), jnp.float32),
            jax.ShapeDtypeStruct((_NW, 16), jnp.float32),
        ],
        scratch_types=[
            pltpu.VMEM((_TPW,), jnp.int32),
            pltpu.VMEM((_NCH, _C), jnp.int32),
            pltpu.VMEM((_TPW,), jnp.int32),
            pltpu.VMEM((_TPW,), jnp.float32),
            pltpu.VMEM((_TPW,), jnp.float32),
            pltpu.VMEM((16,), jnp.float32),
            pltpu.VMEM((2, _C, _V), jnp.float32),
            pltpu.SemaphoreType.DMA((2,)),
            pltpu.SemaphoreType.DMA((2,)),
            pltpu.SemaphoreType.DMA,
        ],
    )
    return f(table, tflat, xflat, x2d, fidx, lse)


@jax.jit
def kernel(x, targets, table):
    B, T = x.shape
    x_flat = x.reshape(_N)
    t_flat = targets.reshape(_N)
    fidx = x_flat * _V + t_flat
    tflat = table.reshape(_V * _V)

    lse = _lse_table(table)[:, 0]
    x2d = x_flat.reshape(_N // _C, _C)
    logits_flat, partials = _sc_stage(table, tflat, x_flat, x2d, fidx, lse)
    loss = jnp.sum(partials) / _N
    return logits_flat.reshape(B, T, _V), loss

# --- scband reference (transcript-rebuilt; emitter-appended) ---
"""Pipeline reference for scband-bigram-model-1039382085645 (READ-ONLY COPY).

The authoritative reference and input builder live on the scoring server;
editing this copy changes nothing except your own understanding.
"""

import jax, jax.numpy as jnp
import numpy as np

VOCAB = 8192
BATCH = 16
SEQ = 1024


def setup_inputs(seed: int = 0) -> dict:
    key = jax.random.key(seed)
    k1, k2, k3 = jax.random.split(key, 3)
    x = jax.random.randint(k1, (BATCH, SEQ), 0, VOCAB, dtype=jnp.int32)
    targets = jax.random.randint(k2, (BATCH, SEQ), 0, VOCAB, dtype=jnp.int32)
    # learned parameter: nn.Embedding(vocab_size, vocab_size) weight
    table = jax.random.normal(k3, (VOCAB, VOCAB), dtype=jnp.float32) * 0.02
    return {"x": x, "targets": targets, "table": table}


def reference(x, targets, table):
    # logits = self.embedding(x)
    logits = jnp.take(table, x, axis=0)  # [B, T, V]
    # loss = F.cross_entropy(logits.view(-1, V), targets.view(-1))
    flat_logits = logits.reshape(-1, VOCAB)
    flat_t = targets.reshape(-1)
    logp = jax.nn.log_softmax(flat_logits, axis=-1)
    nll = -jnp.take_along_axis(logp, flat_t[:, None], axis=1)[:, 0]
    loss = jnp.mean(nll)
    return (logits, loss)

if __name__ == "__main__":
    import jax
    _d = setup_inputs()
    print(jax.jit(kernel)(*tuple(_d.values())))

</pallas_src>

<mosaic_0001>
#map = affine_map<(d0, d1) -> (0, 0)>
#map1 = affine_map<(d0, d1) -> (0)>
module attributes {stable_mosaic.version = 14 : i64} {
  func.func @_sc_body(%arg0: i32, %arg1: i32, %arg2: memref<8192x8192xf32, #tpu.memory_space<hbm>>, %arg3: memref<67108864xf32, #tpu.memory_space<hbm>>, %arg4: memref<16384xi32, #tpu.memory_space<hbm>>, %arg5: memref<4096x4xi32, #tpu.memory_space<hbm>>, %arg6: memref<16384xi32, #tpu.memory_space<hbm>>, %arg7: memref<8192xf32, #tpu.memory_space<hbm>>, %arg8: memref<16384x8192xf32, #tpu.memory_space<hbm>>, %arg9: memref<32x16xf32, #tpu.memory_space<hbm>>, %arg10: memref<512xi32, #tpu.memory_space<vmem>>, %arg11: memref<128x4xi32, #tpu.memory_space<vmem>>, %arg12: memref<512xi32, #tpu.memory_space<vmem>>, %arg13: memref<512xf32, #tpu.memory_space<vmem>>, %arg14: memref<512xf32, #tpu.memory_space<vmem>>, %arg15: memref<16xf32, #tpu.memory_space<vmem>>, %arg16: memref<2x4x8192xf32, #tpu.memory_space<vmem>>, %arg17: memref<2x!tpu.dma_semaphore, #tpu.memory_space<semaphore_mem>>, %arg18: memref<2x!tpu.dma_semaphore, #tpu.memory_space<semaphore_mem>>, %arg19: memref<!tpu.dma_semaphore, #tpu.memory_space<semaphore_mem>>) attributes {dimension_semantics = [#tpu.dimension_semantics<core_parallel>, #tpu.dimension_semantics<subcore_parallel>], iteration_bounds = array<i64: 2, 16>, scalar_prefetch = 0 : i64, scratch_operands = 10 : i64, tpu.core_type = #tpu.core_type<sc_vector_subcore>, window_params = [{transform_indices = #map}, {transform_indices = #map1}, {transform_indices = #map1}, {transform_indices = #map}, {transform_indices = #map1}, {transform_indices = #map1}, {transform_indices = #map}, {transform_indices = #map}]} {
    %mul3A = arith.constant 2 : i32
    %mul3A_0 = arith.muli %arg1, %mul3A : i32
    %add3A = arith.addi %mul3A_0, %arg0 : i32
    %mul3A_1 = arith.constant 512 : i32
    %mul3A_2 = arith.muli %add3A, %mul3A_1 : i32
    %multiple_of3A = tpu.assume_multiple %mul3A_2, 512 : i32
    "tpu.region"() ({
      %run_scoped3A = tpu.sem_alloc : memref<!tpu.dma_semaphore, #tpu.memory_space<semaphore_mem>>
      %dma_start3A_144 = tpu.memref_slice %arg4[%multiple_of3A] : memref<16384xi32, #tpu.memory_space<hbm>> -> memref<512xi32, #tpu.memory_space<hbm>>
      %dma_start3A_145 = tpu.memref_slice %arg4[%multiple_of3A] : memref<16384xi32, #tpu.memory_space<hbm>> -> memref<512xi32, #tpu.memory_space<hbm>>
      tpu.enqueue_dma source(%dma_start3A_145 : memref<512xi32, #tpu.memory_space<hbm>>) target(%arg10 : memref<512xi32, #tpu.memory_space<vmem>>) target_semaphore(%run_scoped3A : memref<!tpu.dma_semaphore, #tpu.memory_space<semaphore_mem>>)
      %dma_wait3A_146 = tpu.memref_slice %arg4[%multiple_of3A] : memref<16384xi32, #tpu.memory_space<hbm>> -> memref<512xi32, #tpu.memory_space<hbm>>
      %dma_wait3A_147 = tpu.memref_slice %arg4[%multiple_of3A] : memref<16384xi32, #tpu.memory_space<hbm>> -> memref<512xi32, #tpu.memory_space<hbm>>
      tpu.wait_dma2 semaphore(%run_scoped3A : memref<!tpu.dma_semaphore, #tpu.memory_space<semaphore_mem>>) src(%dma_wait3A_147 : memref<512xi32, #tpu.memory_space<hbm>>) dst(%arg10 : memref<512xi32, #tpu.memory_space<vmem>>)
      tpu.yield
    }) : () -> ()
    %mul3A_3 = arith.constant 128 : i32
    %mul3A_4 = arith.muli %add3A, %mul3A_3 : i32
    "tpu.region"() ({
      %run_scoped3A = tpu.sem_alloc : memref<!tpu.dma_semaphore, #tpu.memory_space<semaphore_mem>>
      %dma_start3A_144 = arith.constant 0 : i32
      %dma_start3A_145 = tpu.memref_slice %arg5[%mul3A_4, %dma_start3A_144] : memref<4096x4xi32, #tpu.memory_space<hbm>> -> memref<128x4xi32, #tpu.memory_space<hbm>>
      %dma_start3A_146 = arith.constant 0 : i32
      %dma_start3A_147 = tpu.memref_slice %arg5[%mul3A_4, %dma_start3A_146] : memref<4096x4xi32, #tpu.memory_space<hbm>> -> memref<128x4xi32, #tpu.memory_space<hbm>>
      tpu.enqueue_dma source(%dma_start3A_147 : memref<128x4xi32, #tpu.memory_space<hbm>>) target(%arg11 : memref<128x4xi32, #tpu.memory_space<vmem>>) target_semaphore(%run_scoped3A : memref<!tpu.dma_semaphore, #tpu.memory_space<semaphore_mem>>)
      %dma_wait3A_148 = arith.constant 0 : i32
      %dma_wait3A_149 = tpu.memref_slice %arg5[%mul3A_4, %dma_wait3A_148] : memref<4096x4xi32, #tpu.memory_space<hbm>> -> memref<128x4xi32, #tpu.memory_space<hbm>>
      %dma_wait3A_150 = arith.constant 0 : i32
      %dma_wait3A_151 = tpu.memref_slice %arg5[%mul3A_4, %dma_wait3A_150] : memref<4096x4xi32, #tpu.memory_space<hbm>> -> memref<128x4xi32, #tpu.memory_space<hbm>>
      tpu.wait_dma2 semaphore(%run_scoped3A : memref<!tpu.dma_semaphore, #tpu.memory_space<semaphore_mem>>) src(%dma_wait3A_151 : memref<128x4xi32, #tpu.memory_space<hbm>>) dst(%arg11 : memref<128x4xi32, #tpu.memory_space<vmem>>)
      tpu.yield
    }) : () -> ()
    "tpu.region"() ({
      %run_scoped3A = tpu.sem_alloc : memref<!tpu.dma_semaphore, #tpu.memory_space<semaphore_mem>>
      %dma_start3A_144 = tpu.memref_slice %arg6[%multiple_of3A] : memref<16384xi32, #tpu.memory_space<hbm>> -> memref<512xi32, #tpu.memory_space<hbm>>
      %dma_start3A_145 = tpu.memref_slice %arg6[%multiple_of3A] : memref<16384xi32, #tpu.memory_space<hbm>> -> memref<512xi32, #tpu.memory_space<hbm>>
      tpu.enqueue_dma source(%dma_start3A_145 : memref<512xi32, #tpu.memory_space<hbm>>) target(%arg12 : memref<512xi32, #tpu.memory_space<vmem>>) target_semaphore(%run_scoped3A : memref<!tpu.dma_semaphore, #tpu.memory_space<semaphore_mem>>)
      %dma_wait3A_146 = tpu.memref_slice %arg6[%multiple_of3A] : memref<16384xi32, #tpu.memory_space<hbm>> -> memref<512xi32, #tpu.memory_space<hbm>>
      %dma_wait3A_147 = tpu.memref_slice %arg6[%multiple_of3A] : memref<16384xi32, #tpu.memory_space<hbm>> -> memref<512xi32, #tpu.memory_space<hbm>>
      tpu.wait_dma2 semaphore(%run_scoped3A : memref<!tpu.dma_semaphore, #tpu.memory_space<semaphore_mem>>) src(%dma_wait3A_147 : memref<512xi32, #tpu.memory_space<hbm>>) dst(%arg12 : memref<512xi32, #tpu.memory_space<vmem>>)
      tpu.yield
    }) : () -> ()
    %dma_start3A = arith.constant 0 : i32
    %dma_start3A_5 = tpu.memref_slice %arg14[%dma_start3A] : memref<512xf32, #tpu.memory_space<vmem>> -> memref<128xf32, #tpu.memory_space<vmem>>
    %dma_start3A_6 = arith.constant 0 : i32
    %dma_start3A_7 = tpu.memref_slice %arg12[%dma_start3A_6] : memref<512xi32, #tpu.memory_space<vmem>> -> memref<128xi32, #tpu.memory_space<vmem>>
    %dma_start3A_8 = arith.constant 0 : i32
    %dma_start3A_9 = tpu.memref_slice %arg3[%dma_start3A_8] : memref<67108864xf32, #tpu.memory_space<hbm>> -> memref<67108864xf32, #tpu.memory_space<hbm>>
    tpu.enqueue_indirect_dma source(%dma_start3A_9 : memref<67108864xf32, #tpu.memory_space<hbm>>) target(%dma_start3A_5 : memref<128xf32, #tpu.memory_space<vmem>>) offsets(%dma_start3A_7 : memref<128xi32, #tpu.memory_space<vmem>>) semaphore(%arg19 : memref<!tpu.dma_semaphore, #tpu.memory_space<semaphore_mem>>)
    %dma_start3A_10 = arith.constant 0 : i32
    %dma_start3A_11 = tpu.memref_slice %arg13[%dma_start3A_10] : memref<512xf32, #tpu.memory_space<vmem>> -> memref<128xf32, #tpu.memory_space<vmem>>
    %dma_start3A_12 = arith.constant 0 : i32
    %dma_start3A_13 = tpu.memref_slice %arg10[%dma_start3A_12] : memref<512xi32, #tpu.memory_space<vmem>> -> memref<128xi32, #tpu.memory_space<vmem>>
    %dma_start3A_14 = arith.constant 0 : i32
    %dma_start3A_15 = tpu.memref_slice %arg7[%dma_start3A_14] : memref<8192xf32, #tpu.memory_space<hbm>> -> memref<8192xf32, #tpu.memory_space<hbm>>
    tpu.enqueue_indirect_dma source(%dma_start3A_15 : memref<8192xf32, #tpu.memory_space<hbm>>) target(%dma_start3A_11 : memref<128xf32, #tpu.memory_space<vmem>>) offsets(%dma_start3A_13 : memref<128xi32, #tpu.memory_space<vmem>>) semaphore(%arg19 : memref<!tpu.dma_semaphore, #tpu.memory_space<semaphore_mem>>)
    %dma_start3A_16 = arith.constant 128 : i32
    %dma_start3A_17 = tpu.memref_slice %arg14[%dma_start3A_16] : memref<512xf32, #tpu.memory_space<vmem>> -> memref<128xf32, #tpu.memory_space<vmem>>
    %dma_start3A_18 = arith.constant 128 : i32
    %dma_start3A_19 = tpu.memref_slice %arg12[%dma_start3A_18] : memref<512xi32, #tpu.memory_space<vmem>> -> memref<128xi32, #tpu.memory_space<vmem>>
    %dma_start3A_20 = arith.constant 0 : i32
    %dma_start3A_21 = tpu.memref_slice %arg3[%dma_start3A_20] : memref<67108864xf32, #tpu.memory_space<hbm>> -> memref<67108864xf32, #tpu.memory_space<hbm>>
    tpu.enqueue_indirect_dma source(%dma_start3A_21 : memref<67108864xf32, #tpu.memory_space<hbm>>) target(%dma_start3A_17 : memref<128xf32, #tpu.memory_space<vmem>>) offsets(%dma_start3A_19 : memref<128xi32, #tpu.memory_space<vmem>>) semaphore(%arg19 : memref<!tpu.dma_semaphore, #tpu.memory_space<semaphore_mem>>)
    %dma_start3A_22 = arith.constant 128 : i32
    %dma_start3A_23 = tpu.memref_slice %arg13[%dma_start3A_22] : memref<512xf32, #tpu.memory_space<vmem>> -> memref<128xf32, #tpu.memory_space<vmem>>
    %dma_start3A_24 = arith.constant 128 : i32
    %dma_start3A_25 = tpu.memref_slice %arg10[%dma_start3A_24] : memref<512xi32, #tpu.memory_space<vmem>> -> memref<128xi32, #tpu.memory_space<vmem>>
    %dma_start3A_26 = arith.constant 0 : i32
    %dma_start3A_27 = tpu.memref_slice %arg7[%dma_start3A_26] : memref<8192xf32, #tpu.memory_space<hbm>> -> memref<8192xf32, #tpu.memory_space<hbm>>
    tpu.enqueue_indirect_dma source(%dma_start3A_27 : memref<8192xf32, #tpu.memory_space<hbm>>) target(%dma_start3A_23 : memref<128xf32, #tpu.memory_space<vmem>>) offsets(%dma_start3A_25 : memref<128xi32, #tpu.memory_space<vmem>>) semaphore(%arg19 : memref<!tpu.dma_semaphore, #tpu.memory_space<semaphore_mem>>)
    %dma_start3A_28 = arith.constant 256 : i32
    %dma_start3A_29 = tpu.memref_slice %arg14[%dma_start3A_28] : memref<512xf32, #tpu.memory_space<vmem>> -> memref<128xf32, #tpu.memory_space<vmem>>
    %dma_start3A_30 = arith.constant 256 : i32
    %dma_start3A_31 = tpu.memref_slice %arg12[%dma_start3A_30] : memref<512xi32, #tpu.memory_space<vmem>> -> memref<128xi32, #tpu.memory_space<vmem>>
    %dma_start3A_32 = arith.constant 0 : i32
    %dma_start3A_33 = tpu.memref_slice %arg3[%dma_start3A_32] : memref<67108864xf32, #tpu.memory_space<hbm>> -> memref<67108864xf32, #tpu.memory_space<hbm>>
    tpu.enqueue_indirect_dma source(%dma_start3A_33 : memref<67108864xf32, #tpu.memory_space<hbm>>) target(%dma_start3A_29 : memref<128xf32, #tpu.memory_space<vmem>>) offsets(%dma_start3A_31 : memref<128xi32, #tpu.memory_space<vmem>>) semaphore(%arg19 : memref<!tpu.dma_semaphore, #tpu.memory_space<semaphore_mem>>)
    %dma_start3A_34 = arith.constant 256 : i32
    %dma_start3A_35 = tpu.memref_slice %arg13[%dma_start3A_34] : memref<512xf32, #tpu.memory_space<vmem>> -> memref<128xf32, #tpu.memory_space<vmem>>
    %dma_start3A_36 = arith.constant 256 : i32
    %dma_start3A_37 = tpu.memref_slice %arg10[%dma_start3A_36] : memref<512xi32, #tpu.memory_space<vmem>> -> memref<128xi32, #tpu.memory_space<vmem>>
    %dma_start3A_38 = arith.constant 0 : i32
    %dma_start3A_39 = tpu.memref_slice %arg7[%dma_start3A_38] : memref<8192xf32, #tpu.memory_space<hbm>> -> memref<8192xf32, #tpu.memory_space<hbm>>
    tpu.enqueue_indirect_dma source(%dma_start3A_39 : memref<8192xf32, #tpu.memory_space<hbm>>) target(%dma_start3A_35 : memref<128xf32, #tpu.memory_space<vmem>>) offsets(%dma_start3A_37 : memref<128xi32, #tpu.memory_space<vmem>>) semaphore(%arg19 : memref<!tpu.dma_semaphore, #tpu.memory_space<semaphore_mem>>)
    %dma_start3A_40 = arith.constant 384 : i32
    %dma_start3A_41 = tpu.memref_slice %arg14[%dma_start3A_40] : memref<512xf32, #tpu.memory_space<vmem>> -> memref<128xf32, #tpu.memory_space<vmem>>
    %dma_start3A_42 = arith.constant 384 : i32
    %dma_start3A_43 = tpu.memref_slice %arg12[%dma_start3A_42] : memref<512xi32, #tpu.memory_space<vmem>> -> memref<128xi32, #tpu.memory_space<vmem>>
    %dma_start3A_44 = arith.constant 0 : i32
    %dma_start3A_45 = tpu.memref_slice %arg3[%dma_start3A_44] : memref<67108864xf32, #tpu.memory_space<hbm>> -> memref<67108864xf32, #tpu.memory_space<hbm>>
    tpu.enqueue_indirect_dma source(%dma_start3A_45 : memref<67108864xf32, #tpu.memory_space<hbm>>) target(%dma_start3A_41 : memref<128xf32, #tpu.memory_space<vmem>>) offsets(%dma_start3A_43 : memref<128xi32, #tpu.memory_space<vmem>>) semaphore(%arg19 : memref<!tpu.dma_semaphore, #tpu.memory_space<semaphore_mem>>)
    %dma_start3A_46 = arith.constant 384 : i32
    %dma_start3A_47 = tpu.memref_slice %arg13[%dma_start3A_46] : memref<512xf32, #tpu.memory_space<vmem>> -> memref<128xf32, #tpu.memory_space<vmem>>
    %dma_start3A_48 = arith.constant 384 : i32
    %dma_start3A_49 = tpu.memref_slice %arg10[%dma_start3A_48] : memref<512xi32, #tpu.memory_space<vmem>> -> memref<128xi32, #tpu.memory_space<vmem>>
    %dma_start3A_50 = arith.constant 0 : i32
    %dma_start3A_51 = tpu.memref_slice %arg7[%dma_start3A_50] : memref<8192xf32, #tpu.memory_space<hbm>> -> memref<8192xf32, #tpu.memory_space<hbm>>
    tpu.enqueue_indirect_dma source(%dma_start3A_51 : memref<8192xf32, #tpu.memory_space<hbm>>) target(%dma_start3A_47 : memref<128xf32, #tpu.memory_space<vmem>>) offsets(%dma_start3A_49 : memref<128xi32, #tpu.memory_space<vmem>>) semaphore(%arg19 : memref<!tpu.dma_semaphore, #tpu.memory_space<semaphore_mem>>)
    %dma_start3A_52 = arith.constant 0 : i32
    %dma_start3A_53 = arith.constant 0 : i32
    %dma_start3A_54 = arith.constant 0 : i32
    %dma_start3A_55 = arith.constant 0 : i32
    %dma_start3A_56 = arith.constant 0 : i32
    %dma_start3A_57 = tpu.memref_slice %arg16[%dma_start3A_53, %dma_start3A_55, %dma_start3A_56] : memref<2x4x8192xf32, #tpu.memory_space<vmem>> -> memref<1x4x8192xf32, #tpu.memory_space<vmem>>
    %dma_start3A_58 = tpu.memref_squeeze %dma_start3A_57 : memref<1x4x8192xf32, #tpu.memory_space<vmem>> -> memref<4x8192xf32, #tpu.memory_space<vmem>>
    %dma_start3A_59 = arith.constant 0 : i32
    %dma_start3A_60 = tpu.memref_slice %arg11[%dma_start3A_52, %dma_start3A_59] : memref<128x4xi32, #tpu.memory_space<vmem>> -> memref<1x4xi32, #tpu.memory_space<vmem>>
    %dma_start3A_61 = tpu.memref_squeeze %dma_start3A_60 : memref<1x4xi32, #tpu.memory_space<vmem>> -> memref<4xi32, #tpu.memory_space<vmem>>
    %dma_start3A_62 = arith.constant 0 : i32
    %dma_start3A_63 = arith.constant 0 : i32
    %dma_start3A_64 = tpu.memref_slice %arg2[%dma_start3A_62, %dma_start3A_63] : memref<8192x8192xf32, #tpu.memory_space<hbm>> -> memref<8192x8192xf32, #tpu.memory_space<hbm>>
    %dma_start3A_65 = tpu.memref_slice %arg17[%dma_start3A_54] : memref<2x!tpu.dma_semaphore, #tpu.memory_space<semaphore_mem>> -> memref<1x!tpu.dma_semaphore, #tpu.memory_space<semaphore_mem>>
    %dma_start3A_66 = tpu.memref_squeeze %dma_start3A_65 : memref<1x!tpu.dma_semaphore, #tpu.memory_space<semaphore_mem>> -> memref<!tpu.dma_semaphore, #tpu.memory_space<semaphore_mem>>
    tpu.enqueue_indirect_dma source(%dma_start3A_64 : memref<8192x8192xf32, #tpu.memory_space<hbm>>) target(%dma_start3A_58 : memref<4x8192xf32, #tpu.memory_space<vmem>>) offsets(%dma_start3A_61 : memref<4xi32, #tpu.memory_space<vmem>>) semaphore(%dma_start3A_66 : memref<!tpu.dma_semaphore, #tpu.memory_space<semaphore_mem>>)
    %dma_start3A_67 = arith.constant 1 : i32
    %dma_start3A_68 = arith.constant 1 : i32
    %dma_start3A_69 = arith.constant 1 : i32
    %dma_start3A_70 = arith.constant 0 : i32
    %dma_start3A_71 = arith.constant 0 : i32
    %dma_start3A_72 = tpu.memref_slice %arg16[%dma_start3A_68, %dma_start3A_70, %dma_start3A_71] : memref<2x4x8192xf32, #tpu.memory_space<vmem>> -> memref<1x4x8192xf32, #tpu.memory_space<vmem>>
    %dma_start3A_73 = tpu.memref_squeeze %dma_start3A_72 : memref<1x4x8192xf32, #tpu.memory_space<vmem>> -> memref<4x8192xf32, #tpu.memory_space<vmem>>
    %dma_start3A_74 = arith.constant 0 : i32
    %dma_start3A_75 = tpu.memref_slice %arg11[%dma_start3A_67, %dma_start3A_74] : memref<128x4xi32, #tpu.memory_space<vmem>> -> memref<1x4xi32, #tpu.memory_space<vmem>>
    %dma_start3A_76 = tpu.memref_squeeze %dma_start3A_75 : memref<1x4xi32, #tpu.memory_space<vmem>> -> memref<4xi32, #tpu.memory_space<vmem>>
    %dma_start3A_77 = arith.constant 0 : i32
    %dma_start3A_78 = arith.constant 0 : i32
    %dma_start3A_79 = tpu.memref_slice %arg2[%dma_start3A_77, %dma_start3A_78] : memref<8192x8192xf32, #tpu.memory_space<hbm>> -> memref<8192x8192xf32, #tpu.memory_space<hbm>>
    %dma_start3A_80 = tpu.memref_slice %arg17[%dma_start3A_69] : memref<2x!tpu.dma_semaphore, #tpu.memory_space<semaphore_mem>> -> memref<1x!tpu.dma_semaphore, #tpu.memory_space<semaphore_mem>>
    %dma_start3A_81 = tpu.memref_squeeze %dma_start3A_80 : memref<1x!tpu.dma_semaphore, #tpu.memory_space<semaphore_mem>> -> memref<!tpu.dma_semaphore, #tpu.memory_space<semaphore_mem>>
    tpu.enqueue_indirect_dma source(%dma_start3A_79 : memref<8192x8192xf32, #tpu.memory_space<hbm>>) target(%dma_start3A_73 : memref<4x8192xf32, #tpu.memory_space<vmem>>) offsets(%dma_start3A_76 : memref<4xi32, #tpu.memory_space<vmem>>) semaphore(%dma_start3A_81 : memref<!tpu.dma_semaphore, #tpu.memory_space<semaphore_mem>>)
    %dma_wait3A = arith.constant 0 : i32
    %dma_wait3A_82 = tpu.memref_slice %arg14[%dma_wait3A] : memref<512xf32, #tpu.memory_space<vmem>> -> memref<128xf32, #tpu.memory_space<vmem>>
    %dma_wait3A_83 = arith.constant 0 : i32
    %dma_wait3A_84 = tpu.memref_slice %arg12[%dma_wait3A_83] : memref<512xi32, #tpu.memory_space<vmem>> -> memref<128xi32, #tpu.memory_space<vmem>>
    %dma_wait3A_85 = arith.constant 0 : i32
    %dma_wait3A_86 = tpu.memref_slice %arg3[%dma_wait3A_85] : memref<67108864xf32, #tpu.memory_space<hbm>> -> memref<67108864xf32, #tpu.memory_space<hbm>>
    tpu.wait_indirect_dma semaphore(%arg19 : memref<!tpu.dma_semaphore, #tpu.memory_space<semaphore_mem>>) src(%dma_wait3A_86 : memref<67108864xf32, #tpu.memory_space<hbm>>) dst(%dma_wait3A_82 : memref<128xf32, #tpu.memory_space<vmem>>)
    %dma_wait3A_87 = arith.constant 0 : i32
    %dma_wait3A_88 = tpu.memref_slice %arg13[%dma_wait3A_87] : memref<512xf32, #tpu.memory_space<vmem>> -> memref<128xf32, #tpu.memory_space<vmem>>
    %dma_wait3A_89 = arith.constant 0 : i32
    %dma_wait3A_90 = tpu.memref_slice %arg10[%dma_wait3A_89] : memref<512xi32, #tpu.memory_space<vmem>> -> memref<128xi32, #tpu.memory_space<vmem>>
    %dma_wait3A_91 = arith.constant 0 : i32
    %dma_wait3A_92 = tpu.memref_slice %arg7[%dma_wait3A_91] : memref<8192xf32, #tpu.memory_space<hbm>> -> memref<8192xf32, #tpu.memory_space<hbm>>
    tpu.wait_indirect_dma semaphore(%arg19 : memref<!tpu.dma_semaphore, #tpu.memory_space<semaphore_mem>>) src(%dma_wait3A_92 : memref<8192xf32, #tpu.memory_space<hbm>>) dst(%dma_wait3A_88 : memref<128xf32, #tpu.memory_space<vmem>>)
    %dma_wait3A_93 = arith.constant 128 : i32
    %dma_wait3A_94 = tpu.memref_slice %arg14[%dma_wait3A_93] : memref<512xf32, #tpu.memory_space<vmem>> -> memref<128xf32, #tpu.memory_space<vmem>>
    %dma_wait3A_95 = arith.constant 128 : i32
    %dma_wait3A_96 = tpu.memref_slice %arg12[%dma_wait3A_95] : memref<512xi32, #tpu.memory_space<vmem>> -> memref<128xi32, #tpu.memory_space<vmem>>
    %dma_wait3A_97 = arith.constant 0 : i32
    %dma_wait3A_98 = tpu.memref_slice %arg3[%dma_wait3A_97] : memref<67108864xf32, #tpu.memory_space<hbm>> -> memref<67108864xf32, #tpu.memory_space<hbm>>
    tpu.wait_indirect_dma semaphore(%arg19 : memref<!tpu.dma_semaphore, #tpu.memory_space<semaphore_mem>>) src(%dma_wait3A_98 : memref<67108864xf32, #tpu.memory_space<hbm>>) dst(%dma_wait3A_94 : memref<128xf32, #tpu.memory_space<vmem>>)
    %dma_wait3A_99 = arith.constant 128 : i32
    %dma_wait3A_100 = tpu.memref_slice %arg13[%dma_wait3A_99] : memref<512xf32, #tpu.memory_space<vmem>> -> memref<128xf32, #tpu.memory_space<vmem>>
    %dma_wait3A_101 = arith.constant 128 : i32
    %dma_wait3A_102 = tpu.memref_slice %arg10[%dma_wait3A_101] : memref<512xi32, #tpu.memory_space<vmem>> -> memref<128xi32, #tpu.memory_space<vmem>>
    %dma_wait3A_103 = arith.constant 0 : i32
    %dma_wait3A_104 = tpu.memref_slice %arg7[%dma_wait3A_103] : memref<8192xf32, #tpu.memory_space<hbm>> -> memref<8192xf32, #tpu.memory_space<hbm>>
    tpu.wait_indirect_dma semaphore(%arg19 : memref<!tpu.dma_semaphore, #tpu.memory_space<semaphore_mem>>) src(%dma_wait3A_104 : memref<8192xf32, #tpu.memory_space<hbm>>) dst(%dma_wait3A_100 : memref<128xf32, #tpu.memory_space<vmem>>)
    %dma_wait3A_105 = arith.constant 256 : i32
    %dma_wait3A_106 = tpu.memref_slice %arg14[%dma_wait3A_105] : memref<512xf32, #tpu.memory_space<vmem>> -> memref<128xf32, #tpu.memory_space<vmem>>
    %dma_wait3A_107 = arith.constant 256 : i32
    %dma_wait3A_108 = tpu.memref_slice %arg12[%dma_wait3A_107] : memref<512xi32, #tpu.memory_space<vmem>> -> memref<128xi32, #tpu.memory_space<vmem>>
    %dma_wait3A_109 = arith.constant 0 : i32
    %dma_wait3A_110 = tpu.memref_slice %arg3[%dma_wait3A_109] : memref<67108864xf32, #tpu.memory_space<hbm>> -> memref<67108864xf32, #tpu.memory_space<hbm>>
    tpu.wait_indirect_dma semaphore(%arg19 : memref<!tpu.dma_semaphore, #tpu.memory_space<semaphore_mem>>) src(%dma_wait3A_110 : memref<67108864xf32, #tpu.memory_space<hbm>>) dst(%dma_wait3A_106 : memref<128xf32, #tpu.memory_space<vmem>>)
    %dma_wait3A_111 = arith.constant 256 : i32
    %dma_wait3A_112 = tpu.memref_slice %arg13[%dma_wait3A_111] : memref<512xf32, #tpu.memory_space<vmem>> -> memref<128xf32, #tpu.memory_space<vmem>>
    %dma_wait3A_113 = arith.constant 256 : i32
    %dma_wait3A_114 = tpu.memref_slice %arg10[%dma_wait3A_113] : memref<512xi32, #tpu.memory_space<vmem>> -> memref<128xi32, #tpu.memory_space<vmem>>
    %dma_wait3A_115 = arith.constant 0 : i32
    %dma_wait3A_116 = tpu.memref_slice %arg7[%dma_wait3A_115] : memref<8192xf32, #tpu.memory_space<hbm>> -> memref<8192xf32, #tpu.memory_space<hbm>>
    tpu.wait_indirect_dma semaphore(%arg19 : memref<!tpu.dma_semaphore, #tpu.memory_space<semaphore_mem>>) src(%dma_wait3A_116 : memref<8192xf32, #tpu.memory_space<hbm>>) dst(%dma_wait3A_112 : memref<128xf32, #tpu.memory_space<vmem>>)
    %dma_wait3A_117 = arith.constant 384 : i32
    %dma_wait3A_118 = tpu.memref_slice %arg14[%dma_wait3A_117] : memref<512xf32, #tpu.memory_space<vmem>> -> memref<128xf32, #tpu.memory_space<vmem>>
    %dma_wait3A_119 = arith.constant 384 : i32
    %dma_wait3A_120 = tpu.memref_slice %arg12[%dma_wait3A_119] : memref<512xi32, #tpu.memory_space<vmem>> -> memref<128xi32, #tpu.memory_space<vmem>>
    %dma_wait3A_121 = arith.constant 0 : i32
    %dma_wait3A_122 = tpu.memref_slice %arg3[%dma_wait3A_121] : memref<67108864xf32, #tpu.memory_space<hbm>> -> memref<67108864xf32, #tpu.memory_space<hbm>>
    tpu.wait_indirect_dma semaphore(%arg19 : memref<!tpu.dma_semaphore, #tpu.memory_space<semaphore_mem>>) src(%dma_wait3A_122 : memref<67108864xf32, #tpu.memory_space<hbm>>) dst(%dma_wait3A_118 : memref<128xf32, #tpu.memory_space<vmem>>)
    %dma_wait3A_123 = arith.constant 384 : i32
    %dma_wait3A_124 = tpu.memref_slice %arg13[%dma_wait3A_123] : memref<512xf32, #tpu.memory_space<vmem>> -> memref<128xf32, #tpu.memory_space<vmem>>
    %dma_wait3A_125 = arith.constant 384 : i32
    %dma_wait3A_126 = tpu.memref_slice %arg10[%dma_wait3A_125] : memref<512xi32, #tpu.memory_space<vmem>> -> memref<128xi32, #tpu.memory_space<vmem>>
    %dma_wait3A_127 = arith.constant 0 : i32
    %dma_wait3A_128 = tpu.memref_slice %arg7[%dma_wait3A_127] : memref<8192xf32, #tpu.memory_space<hbm>> -> memref<8192xf32, #tpu.memory_space<hbm>>
    tpu.wait_indirect_dma semaphore(%arg19 : memref<!tpu.dma_semaphore, #tpu.memory_space<semaphore_mem>>) src(%dma_wait3A_128 : memref<8192xf32, #tpu.memory_space<hbm>>) dst(%dma_wait3A_124 : memref<128xf32, #tpu.memory_space<vmem>>)
    %broadcast_in_dim3A = arith.constant 0.000000e+00 : f32
    %broadcast_in_dim3A_129 = vector.broadcast %broadcast_in_dim3A : f32 to vector<16xf32>
    %swap3A = arith.constant 0 : index
    %swap3A_130 = tpu.vector_load %arg15[%swap3A] {strides = array<i32>} : memref<16xf32, #tpu.memory_space<vmem>>, vector<16xf32>,
    %swap3A_131 = vector.shape_cast %swap3A_130 : vector<16xf32> to vector<16xf32>
    %swap3A_132 = vector.shape_cast %broadcast_in_dim3A_129 : vector<16xf32> to vector<16xf32>
    tpu.vector_store %arg15[%swap3A], %swap3A_132 {strides = array<i32>} : memref<16xf32, #tpu.memory_space<vmem>>, vector<16xf32>,
    %scan3A = arith.constant 0 : i32
    %scan3A_133 = arith.constant 0 : i32
    %scan3A_134 = arith.constant 32 : i32
    %scan3A_135 = arith.addi %scan3A_133, %scan3A_134 : i32
    %scan3A_136 = arith.constant 1 : i32
    scf.for %scan3A_144 = %scan3A_133 to %scan3A_135 step %scan3A_136  : i32 {
      %mul3A_145 = arith.constant 16 : i32
      %mul3A_146 = arith.muli %scan3A_144, %mul3A_145 : i32
      %multiple_of3A_147 = tpu.assume_multiple %mul3A_146, 16 : i32
      %get3A = arith.index_cast %multiple_of3A_147 : i32 to index
      %get3A_148 = tpu.vector_load %arg13[%get3A] {strides = array<i32>} : memref<512xf32, #tpu.memory_space<vmem>>, vector<16xf32>,
      %get3A_149 = vector.shape_cast %get3A_148 : vector<16xf32> to vector<16xf32>
      %get3A_150 = arith.index_cast %multiple_of3A_147 : i32 to index
      %get3A_151 = tpu.vector_load %arg14[%get3A_150] {strides = array<i32>} : memref<512xf32, #tpu.memory_space<vmem>>, vector<16xf32>,
      %get3A_152 = vector.shape_cast %get3A_151 : vector<16xf32> to vector<16xf32>
      %get3A_153 = arith.constant 0 : index
      %get3A_154 = tpu.vector_load %arg15[%get3A_153] {strides = array<i32>} : memref<16xf32, #tpu.memory_space<vmem>>, vector<16xf32>,
      %get3A_155 = vector.shape_cast %get3A_154 : vector<16xf32> to vector<16xf32>
      %sub3A = arith.subf %get3A_149, %get3A_152 : vector<16xf32>
      %add3A_156 = arith.addf %get3A_155, %sub3A : vector<16xf32>
      %swap3A_157 = arith.constant 0 : index
      %swap3A_158 = tpu.vector_load %arg15[%swap3A_157] {strides = array<i32>} : memref<16xf32, #tpu.memory_space<vmem>>, vector<16xf32>,
      %swap3A_159 = vector.shape_cast %swap3A_158 : vector<16xf32> to vector<16xf32>
      %swap3A_160 = vector.shape_cast %add3A_156 : vector<16xf32> to vector<16xf32>
      tpu.vector_store %arg15[%swap3A_157], %swap3A_160 {strides = array<i32>} : memref<16xf32, #tpu.memory_space<vmem>>, vector<16xf32>,
    }
    %scan3A_137 = arith.constant 32 : i32
    %scan3A_138 = arith.constant 0 : i32
    %scan3A_139 = arith.constant 0 : i32
    %scan3A_140 = arith.constant 64 : i32
    %scan3A_141 = arith.addi %scan3A_139, %scan3A_140 : i32
    %scan3A_142 = arith.constant 1 : i32
    scf.for %scan3A_144 = %scan3A_139 to %scan3A_141 step %scan3A_142  : i32 {
      %mul3A_145 = arith.constant 2 : i32
      %mul3A_146 = arith.muli %scan3A_144, %mul3A_145 : i32
      %add3A_147 = arith.constant 0 : i32
      %add3A_148 = arith.addi %mul3A_146, %add3A_147 : i32
      %dma_wait3A_149 = arith.constant 0 : i32
      %dma_wait3A_150 = arith.constant 0 : i32
      %dma_wait3A_151 = arith.constant 0 : i32
      %dma_wait3A_152 = arith.constant 0 : i32
      %dma_wait3A_153 = tpu.memref_slice %arg16[%dma_wait3A_149, %dma_wait3A_151, %dma_wait3A_152] : memref<2x4x8192xf32, #tpu.memory_space<vmem>> -> memref<1x4x8192xf32, #tpu.memory_space<vmem>>
      %dma_wait3A_154 = tpu.memref_squeeze %dma_wait3A_153 : memref<1x4x8192xf32, #tpu.memory_space<vmem>> -> memref<4x8192xf32, #tpu.memory_space<vmem>>
      %dma_wait3A_155 = arith.constant 0 : i32
      %dma_wait3A_156 = tpu.memref_slice %arg11[%add3A_148, %dma_wait3A_155] : memref<128x4xi32, #tpu.memory_space<vmem>> -> memref<1x4xi32, #tpu.memory_space<vmem>>
      %dma_wait3A_157 = tpu.memref_squeeze %dma_wait3A_156 : memref<1x4xi32, #tpu.memory_space<vmem>> -> memref<4xi32, #tpu.memory_space<vmem>>
      %dma_wait3A_158 = arith.constant 0 : i32
      %dma_wait3A_159 = arith.constant 0 : i32
      %dma_wait3A_160 = tpu.memref_slice %arg2[%dma_wait3A_158, %dma_wait3A_159] : memref<8192x8192xf32, #tpu.memory_space<hbm>> -> memref<8192x8192xf32, #tpu.memory_space<hbm>>
      %dma_wait3A_161 = tpu.memref_slice %arg17[%dma_wait3A_150] : memref<2x!tpu.dma_semaphore, #tpu.memory_space<semaphore_mem>> -> memref<1x!tpu.dma_semaphore, #tpu.memory_space<semaphore_mem>>
      %dma_wait3A_162 = tpu.memref_squeeze %dma_wait3A_161 : memref<1x!tpu.dma_semaphore, #tpu.memory_space<semaphore_mem>> -> memref<!tpu.dma_semaphore, #tpu.memory_space<semaphore_mem>>
      tpu.wait_indirect_dma semaphore(%dma_wait3A_162 : memref<!tpu.dma_semaphore, #tpu.memory_space<semaphore_mem>>) src(%dma_wait3A_160 : memref<8192x8192xf32, #tpu.memory_space<hbm>>) dst(%dma_wait3A_154 : memref<4x8192xf32, #tpu.memory_space<vmem>>)
      %mul3A_163 = arith.constant 4 : i32
      %mul3A_164 = arith.muli %add3A_148, %mul3A_163 : i32
      %add3A_165 = arith.addi %multiple_of3A, %mul3A_164 : i32
      %dma_start3A_166 = arith.constant 0 : i32
      %dma_start3A_167 = arith.constant 0 : i32
      %dma_start3A_168 = arith.constant 0 : i32
      %dma_start3A_169 = arith.constant 0 : i32
      %dma_start3A_170 = tpu.memref_slice %arg16[%dma_start3A_166, %dma_start3A_168, %dma_start3A_169] : memref<2x4x8192xf32, #tpu.memory_space<vmem>> -> memref<1x4x8192xf32, #tpu.memory_space<vmem>>
      %dma_start3A_171 = tpu.memref_squeeze %dma_start3A_170 : memref<1x4x8192xf32, #tpu.memory_space<vmem>> -> memref<4x8192xf32, #tpu.memory_space<vmem>>
      %dma_start3A_172 = arith.constant 0 : i32
      %dma_start3A_173 = tpu.memref_slice %arg8[%add3A_165, %dma_start3A_172] : memref<16384x8192xf32, #tpu.memory_space<hbm>> -> memref<4x8192xf32, #tpu.memory_space<hbm>>
      %dma_start3A_174 = tpu.memref_slice %arg18[%dma_start3A_167] : memref<2x!tpu.dma_semaphore, #tpu.memory_space<semaphore_mem>> -> memref<1x!tpu.dma_semaphore, #tpu.memory_space<semaphore_mem>>
      %dma_start3A_175 = tpu.memref_squeeze %dma_start3A_174 : memref<1x!tpu.dma_semaphore, #tpu.memory_space<semaphore_mem>> -> memref<!tpu.dma_semaphore, #tpu.memory_space<semaphore_mem>>
      %dma_start3A_176 = arith.constant 0 : i32
      %dma_start3A_177 = tpu.memref_slice %arg8[%add3A_165, %dma_start3A_176] : memref<16384x8192xf32, #tpu.memory_space<hbm>> -> memref<4x8192xf32, #tpu.memory_space<hbm>>
      %dma_start3A_178 = arith.constant 0 : i32
      %dma_start3A_179 = arith.constant 0 : i32
      %dma_start3A_180 = tpu.memref_slice %arg16[%dma_start3A_166, %dma_start3A_178, %dma_start3A_179] : memref<2x4x8192xf32, #tpu.memory_space<vmem>> -> memref<1x4x8192xf32, #tpu.memory_space<vmem>>
      %dma_start3A_181 = tpu.memref_squeeze %dma_start3A_180 : memref<1x4x8192xf32, #tpu.memory_space<vmem>> -> memref<4x8192xf32, #tpu.memory_space<vmem>>
      tpu.enqueue_dma source(%dma_start3A_181 : memref<4x8192xf32, #tpu.memory_space<vmem>>) target(%dma_start3A_177 : memref<4x8192xf32, #tpu.memory_space<hbm>>) target_semaphore(%dma_start3A_175 : memref<!tpu.dma_semaphore, #tpu.memory_space<semaphore_mem>>)
      %add3A_182 = arith.constant 1 : i32
      %add3A_183 = arith.addi %mul3A_146, %add3A_182 : i32
      %dma_wait3A_184 = arith.constant 1 : i32
      %dma_wait3A_185 = arith.constant 1 : i32
      %dma_wait3A_186 = arith.constant 0 : i32
      %dma_wait3A_187 = arith.constant 0 : i32
      %dma_wait3A_188 = tpu.memref_slice %arg16[%dma_wait3A_184, %dma_wait3A_186, %dma_wait3A_187] : memref<2x4x8192xf32, #tpu.memory_space<vmem>> -> memref<1x4x8192xf32, #tpu.memory_space<vmem>>
      %dma_wait3A_189 = tpu.memref_squeeze %dma_wait3A_188 : memref<1x4x8192xf32, #tpu.memory_space<vmem>> -> memref<4x8192xf32, #tpu.memory_space<vmem>>
      %dma_wait3A_190 = arith.constant 0 : i32
      %dma_wait3A_191 = tpu.memref_slice %arg11[%add3A_183, %dma_wait3A_190] : memref<128x4xi32, #tpu.memory_space<vmem>> -> memref<1x4xi32, #tpu.memory_space<vmem>>
      %dma_wait3A_192 = tpu.memref_squeeze %dma_wait3A_191 : memref<1x4xi32, #tpu.memory_space<vmem>> -> memref<4xi32, #tpu.memory_space<vmem>>
      %dma_wait3A_193 = arith.constant 0 : i32
      %dma_wait3A_194 = arith.constant 0 : i32
      %dma_wait3A_195 = tpu.memref_slice %arg2[%dma_wait3A_193, %dma_wait3A_194] : memref<8192x8192xf32, #tpu.memory_space<hbm>> -> memref<8192x8192xf32, #tpu.memory_space<hbm>>
      %dma_wait3A_196 = tpu.memref_slice %arg17[%dma_wait3A_185] : memref<2x!tpu.dma_semaphore, #tpu.memory_space<semaphore_mem>> -> memref<1x!tpu.dma_semaphore, #tpu.memory_space<semaphore_mem>>
      %dma_wait3A_197 = tpu.memref_squeeze %dma_wait3A_196 : memref<1x!tpu.dma_semaphore, #tpu.memory_space<semaphore_mem>> -> memref<!tpu.dma_semaphore, #tpu.memory_space<semaphore_mem>>
      tpu.wait_indirect_dma semaphore(%dma_wait3A_197 : memref<!tpu.dma_semaphore, #tpu.memory_space<semaphore_mem>>) src(%dma_wait3A_195 : memref<8192x8192xf32, #tpu.memory_space<hbm>>) dst(%dma_wait3A_189 : memref<4x8192xf32, #tpu.memory_space<vmem>>)
      %mul3A_198 = arith.constant 4 : i32
      %mul3A_199 = arith.muli %add3A_183, %mul3A_198 : i32
      %add3A_200 = arith.addi %multiple_of3A, %mul3A_199 : i32
      %dma_start3A_201 = arith.constant 1 : i32
      %dma_start3A_202 = arith.constant 1 : i32
      %dma_start3A_203 = arith.constant 0 : i32
      %dma_start3A_204 = arith.constant 0 : i32
      %dma_start3A_205 = tpu.memref_slice %arg16[%dma_start3A_201, %dma_start3A_203, %dma_start3A_204] : memref<2x4x8192xf32, #tpu.memory_space<vmem>> -> memref<1x4x8192xf32, #tpu.memory_space<vmem>>
      %dma_start3A_206 = tpu.memref_squeeze %dma_start3A_205 : memref<1x4x8192xf32, #tpu.memory_space<vmem>> -> memref<4x8192xf32, #tpu.memory_space<vmem>>
      %dma_start3A_207 = arith.constant 0 : i32
      %dma_start3A_208 = tpu.memref_slice %arg8[%add3A_200, %dma_start3A_207] : memref<16384x8192xf32, #tpu.memory_space<hbm>> -> memref<4x8192xf32, #tpu.memory_space<hbm>>
      %dma_start3A_209 = tpu.memref_slice %arg18[%dma_start3A_202] : memref<2x!tpu.dma_semaphore, #tpu.memory_space<semaphore_mem>> -> memref<1x!tpu.dma_semaphore, #tpu.memory_space<semaphore_mem>>
      %dma_start3A_210 = tpu.memref_squeeze %dma_start3A_209 : memref<1x!tpu.dma_semaphore, #tpu.memory_space<semaphore_mem>> -> memref<!tpu.dma_semaphore, #tpu.memory_space<semaphore_mem>>
      %dma_start3A_211 = arith.constant 0 : i32
      %dma_start3A_212 = tpu.memref_slice %arg8[%add3A_200, %dma_start3A_211] : memref<16384x8192xf32, #tpu.memory_space<hbm>> -> memref<4x8192xf32, #tpu.memory_space<hbm>>
      %dma_start3A_213 = arith.constant 0 : i32
      %dma_start3A_214 = arith.constant 0 : i32
      %dma_start3A_215 = tpu.memref_slice %arg16[%dma_start3A_201, %dma_start3A_213, %dma_start3A_214] : memref<2x4x8192xf32, #tpu.memory_space<vmem>> -> memref<1x4x8192xf32, #tpu.memory_space<vmem>>
      %dma_start3A_216 = tpu.memref_squeeze %dma_start3A_215 : memref<1x4x8192xf32, #tpu.memory_space<vmem>> -> memref<4x8192xf32, #tpu.memory_space<vmem>>
      tpu.enqueue_dma source(%dma_start3A_216 : memref<4x8192xf32, #tpu.memory_space<vmem>>) target(%dma_start3A_212 : memref<4x8192xf32, #tpu.memory_space<hbm>>) target_semaphore(%dma_start3A_210 : memref<!tpu.dma_semaphore, #tpu.memory_space<semaphore_mem>>)
      %add3A_217 = arith.constant 0 : i32
      %add3A_218 = arith.addi %mul3A_146, %add3A_217 : i32
      %mul3A_219 = arith.constant 4 : i32
      %mul3A_220 = arith.muli %add3A_218, %mul3A_219 : i32
      %add3A_221 = arith.addi %multiple_of3A, %mul3A_220 : i32
      %dma_wait3A_222 = arith.constant 0 : i32
      %dma_wait3A_223 = arith.constant 0 : i32
      %dma_wait3A_224 = arith.constant 0 : i32
      %dma_wait3A_225 = arith.constant 0 : i32
      %dma_wait3A_226 = tpu.memref_slice %arg16[%dma_wait3A_222, %dma_wait3A_224, %dma_wait3A_225] : memref<2x4x8192xf32, #tpu.memory_space<vmem>> -> memref<1x4x8192xf32, #tpu.memory_space<vmem>>
      %dma_wait3A_227 = tpu.memref_squeeze %dma_wait3A_226 : memref<1x4x8192xf32, #tpu.memory_space<vmem>> -> memref<4x8192xf32, #tpu.memory_space<vmem>>
      %dma_wait3A_228 = arith.constant 0 : i32
      %dma_wait3A_229 = tpu.memref_slice %arg8[%add3A_221, %dma_wait3A_228] : memref<16384x8192xf32, #tpu.memory_space<hbm>> -> memref<4x8192xf32, #tpu.memory_space<hbm>>
      %dma_wait3A_230 = tpu.memref_slice %arg18[%dma_wait3A_223] : memref<2x!tpu.dma_semaphore, #tpu.memory_space<semaphore_mem>> -> memref<1x!tpu.dma_semaphore, #tpu.memory_space<semaphore_mem>>
      %dma_wait3A_231 = tpu.memref_squeeze %dma_wait3A_230 : memref<1x!tpu.dma_semaphore, #tpu.memory_space<semaphore_mem>> -> memref<!tpu.dma_semaphore, #tpu.memory_space<semaphore_mem>>
      %dma_wait3A_232 = arith.constant 0 : i32
      %dma_wait3A_233 = tpu.memref_slice %arg8[%add3A_221, %dma_wait3A_232] : memref<16384x8192xf32, #tpu.memory_space<hbm>> -> memref<4x8192xf32, #tpu.memory_space<hbm>>
      %dma_wait3A_234 = arith.constant 0 : i32
      %dma_wait3A_235 = arith.constant 0 : i32
      %dma_wait3A_236 = tpu.memref_slice %arg16[%dma_wait3A_222, %dma_wait3A_234, %dma_wait3A_235] : memref<2x4x8192xf32, #tpu.memory_space<vmem>> -> memref<1x4x8192xf32, #tpu.memory_space<vmem>>
      %dma_wait3A_237 = tpu.memref_squeeze %dma_wait3A_236 : memref<1x4x8192xf32, #tpu.memory_space<vmem>> -> memref<4x8192xf32, #tpu.memory_space<vmem>>
      tpu.wait_dma2 semaphore(%dma_wait3A_231 : memref<!tpu.dma_semaphore, #tpu.memory_space<semaphore_mem>>) src(%dma_wait3A_237 : memref<4x8192xf32, #tpu.memory_space<vmem>>) dst(%dma_wait3A_233 : memref<4x8192xf32, #tpu.memory_space<hbm>>)
      %add3A_238 = arith.constant 2 : i32
      %add3A_239 = arith.addi %add3A_218, %add3A_238 : i32
      %lt3A = arith.constant 128 : i32
      %lt3A_240 = arith.cmpi slt, %add3A_239, %lt3A : i32
      %convert_element_type3A = arith.extui %lt3A_240 : i1 to i32
      %cond3A = arith.constant 0 : i32
      %cond3A_241 = arith.cmpi ne, %convert_element_type3A, %cond3A : i32
      scf.if %cond3A_241 {
        %add3A_270 = arith.constant 2 : i32
        %add3A_271 = arith.addi %add3A_218, %add3A_270 : i32
        %dma_start3A_272 = arith.constant 0 : i32
        %dma_start3A_273 = arith.constant 0 : i32
        %dma_start3A_274 = arith.constant 0 : i32
        %dma_start3A_275 = arith.constant 0 : i32
        %dma_start3A_276 = tpu.memref_slice %arg16[%dma_start3A_272, %dma_start3A_274, %dma_start3A_275] : memref<2x4x8192xf32, #tpu.memory_space<vmem>> -> memref<1x4x8192xf32, #tpu.memory_space<vmem>>
        %dma_start3A_277 = tpu.memref_squeeze %dma_start3A_276 : memref<1x4x8192xf32, #tpu.memory_space<vmem>> -> memref<4x8192xf32, #tpu.memory_space<vmem>>
        %dma_start3A_278 = arith.constant 0 : i32
        %dma_start3A_279 = tpu.memref_slice %arg11[%add3A_271, %dma_start3A_278] : memref<128x4xi32, #tpu.memory_space<vmem>> -> memref<1x4xi32, #tpu.memory_space<vmem>>
        %dma_start3A_280 = tpu.memref_squeeze %dma_start3A_279 : memref<1x4xi32, #tpu.memory_space<vmem>> -> memref<4xi32, #tpu.memory_space<vmem>>
        %dma_start3A_281 = arith.constant 0 : i32
        %dma_start3A_282 = arith.constant 0 : i32
        %dma_start3A_283 = tpu.memref_slice %arg2[%dma_start3A_281, %dma_start3A_282] : memref<8192x8192xf32, #tpu.memory_space<hbm>> -> memref<8192x8192xf32, #tpu.memory_space<hbm>>
        %dma_start3A_284 = tpu.memref_slice %arg17[%dma_start3A_273] : memref<2x!tpu.dma_semaphore, #tpu.memory_space<semaphore_mem>> -> memref<1x!tpu.dma_semaphore, #tpu.memory_space<semaphore_mem>>
        %dma_start3A_285 = tpu.memref_squeeze %dma_start3A_284 : memref<1x!tpu.dma_semaphore, #tpu.memory_space<semaphore_mem>> -> memref<!tpu.dma_semaphore, #tpu.memory_space<semaphore_mem>>
        tpu.enqueue_indirect_dma source(%dma_start3A_283 : memref<8192x8192xf32, #tpu.memory_space<hbm>>) target(%dma_start3A_277 : memref<4x8192xf32, #tpu.memory_space<vmem>>) offsets(%dma_start3A_280 : memref<4xi32, #tpu.memory_space<vmem>>) semaphore(%dma_start3A_285 : memref<!tpu.dma_semaphore, #tpu.memory_space<semaphore_mem>>)
      } else {
      }
      %add3A_242 = arith.constant 1 : i32
      %add3A_243 = arith.addi %mul3A_146, %add3A_242 : i32
      %mul3A_244 = arith.constant 4 : i32
      %mul3A_245 = arith.muli %add3A_243, %mul3A_244 : i32
      %add3A_246 = arith.addi %multiple_of3A, %mul3A_245 : i32
      %dma_wait3A_247 = arith.constant 1 : i32
      %dma_wait3A_248 = arith.constant 1 : i32
      %dma_wait3A_249 = arith.constant 0 : i32
      %dma_wait3A_250 = arith.constant 0 : i32
      %dma_wait3A_251 = tpu.memref_slice %arg16[%dma_wait3A_247, %dma_wait3A_249, %dma_wait3A_250] : memref<2x4x8192xf32, #tpu.memory_space<vmem>> -> memref<1x4x8192xf32, #tpu.memory_space<vmem>>
      %dma_wait3A_252 = tpu.memref_squeeze %dma_wait3A_251 : memref<1x4x8192xf32, #tpu.memory_space<vmem>> -> memref<4x8192xf32, #tpu.memory_space<vmem>>
      %dma_wait3A_253 = arith.constant 0 : i32
      %dma_wait3A_254 = tpu.memref_slice %arg8[%add3A_246, %dma_wait3A_253] : memref<16384x8192xf32, #tpu.memory_space<hbm>> -> memref<4x8192xf32, #tpu.memory_space<hbm>>
      %dma_wait3A_255 = tpu.memref_slice %arg18[%dma_wait3A_248] : memref<2x!tpu.dma_semaphore, #tpu.memory_space<semaphore_mem>> -> memref<1x!tpu.dma_semaphore, #tpu.memory_space<semaphore_mem>>
      %dma_wait3A_256 = tpu.memref_squeeze %dma_wait3A_255 : memref<1x!tpu.dma_semaphore, #tpu.memory_space<semaphore_mem>> -> memref<!tpu.dma_semaphore, #tpu.memory_space<semaphore_mem>>
      %dma_wait3A_257 = arith.constant 0 : i32
      %dma_wait3A_258 = tpu.memref_slice %arg8[%add3A_246, %dma_wait3A_257] : memref<16384x8192xf32, #tpu.memory_space<hbm>> -> memref<4x8192xf32, #tpu.memory_space<hbm>>
      %dma_wait3A_259 = arith.constant 0 : i32
      %dma_wait3A_260 = arith.constant 0 : i32
      %dma_wait3A_261 = tpu.memref_slice %arg16[%dma_wait3A_247, %dma_wait3A_259, %dma_wait3A_260] : memref<2x4x8192xf32, #tpu.memory_space<vmem>> -> memref<1x4x8192xf32, #tpu.memory_space<vmem>>
      %dma_wait3A_262 = tpu.memref_squeeze %dma_wait3A_261 : memref<1x4x8192xf32, #tpu.memory_space<vmem>> -> memref<4x8192xf32, #tpu.memory_space<vmem>>
      tpu.wait_dma2 semaphore(%dma_wait3A_256 : memref<!tpu.dma_semaphore, #tpu.memory_space<semaphore_mem>>) src(%dma_wait3A_262 : memref<4x8192xf32, #tpu.memory_space<vmem>>) dst(%dma_wait3A_258 : memref<4x8192xf32, #tpu.memory_space<hbm>>)
      %add3A_263 = arith.constant 2 : i32
      %add3A_264 = arith.addi %add3A_243, %add3A_263 : i32
      %lt3A_265 = arith.constant 128 : i32
      %lt3A_266 = arith.cmpi slt, %add3A_264, %lt3A_265 : i32
      %convert_element_type3A_267 = arith.extui %lt3A_266 : i1 to i32
      %cond3A_268 = arith.constant 0 : i32
      %cond3A_269 = arith.cmpi ne, %convert_element_type3A_267, %cond3A_268 : i32
      scf.if %cond3A_269 {
        %add3A_270 = arith.constant 2 : i32
        %add3A_271 = arith.addi %add3A_243, %add3A_270 : i32
        %dma_start3A_272 = arith.constant 1 : i32
        %dma_start3A_273 = arith.constant 1 : i32
        %dma_start3A_274 = arith.constant 0 : i32
        %dma_start3A_275 = arith.constant 0 : i32
        %dma_start3A_276 = tpu.memref_slice %arg16[%dma_start3A_272, %dma_start3A_274, %dma_start3A_275] : memref<2x4x8192xf32, #tpu.memory_space<vmem>> -> memref<1x4x8192xf32, #tpu.memory_space<vmem>>
        %dma_start3A_277 = tpu.memref_squeeze %dma_start3A_276 : memref<1x4x8192xf32, #tpu.memory_space<vmem>> -> memref<4x8192xf32, #tpu.memory_space<vmem>>
        %dma_start3A_278 = arith.constant 0 : i32
        %dma_start3A_279 = tpu.memref_slice %arg11[%add3A_271, %dma_start3A_278] : memref<128x4xi32, #tpu.memory_space<vmem>> -> memref<1x4xi32, #tpu.memory_space<vmem>>
        %dma_start3A_280 = tpu.memref_squeeze %dma_start3A_279 : memref<1x4xi32, #tpu.memory_space<vmem>> -> memref<4xi32, #tpu.memory_space<vmem>>
        %dma_start3A_281 = arith.constant 0 : i32
        %dma_start3A_282 = arith.constant 0 : i32
        %dma_start3A_283 = tpu.memref_slice %arg2[%dma_start3A_281, %dma_start3A_282] : memref<8192x8192xf32, #tpu.memory_space<hbm>> -> memref<8192x8192xf32, #tpu.memory_space<hbm>>
        %dma_start3A_284 = tpu.memref_slice %arg17[%dma_start3A_273] : memref<2x!tpu.dma_semaphore, #tpu.memory_space<semaphore_mem>> -> memref<1x!tpu.dma_semaphore, #tpu.memory_space<semaphore_mem>>
        %dma_start3A_285 = tpu.memref_squeeze %dma_start3A_284 : memref<1x!tpu.dma_semaphore, #tpu.memory_space<semaphore_mem>> -> memref<!tpu.dma_semaphore, #tpu.memory_space<semaphore_mem>>
        tpu.enqueue_indirect_dma source(%dma_start3A_283 : memref<8192x8192xf32, #tpu.memory_space<hbm>>) target(%dma_start3A_277 : memref<4x8192xf32, #tpu.memory_space<vmem>>) offsets(%dma_start3A_280 : memref<4xi32, #tpu.memory_space<vmem>>) semaphore(%dma_start3A_285 : memref<!tpu.dma_semaphore, #tpu.memory_space<semaphore_mem>>)
      } else {
      }
    }
    %scan3A_143 = arith.constant 64 : i32
    "tpu.region"() ({
      %run_scoped3A = tpu.sem_alloc : memref<!tpu.dma_semaphore, #tpu.memory_space<semaphore_mem>>
      %dma_start3A_144 = arith.constant 0 : i32
      %dma_start3A_145 = tpu.memref_slice %arg9[%add3A, %dma_start3A_144] : memref<32x16xf32, #tpu.memory_space<hbm>> -> memref<1x16xf32, #tpu.memory_space<hbm>>
      %dma_start3A_146 = tpu.memref_squeeze %dma_start3A_145 : memref<1x16xf32, #tpu.memory_space<hbm>> -> memref<16xf32, #tpu.memory_space<hbm>>
      %dma_start3A_147 = arith.constant 0 : i32
      %dma_start3A_148 = tpu.memref_slice %arg9[%add3A, %dma_start3A_147] : memref<32x16xf32, #tpu.memory_space<hbm>> -> memref<1x16xf32, #tpu.memory_space<hbm>>
      %dma_start3A_149 = tpu.memref_squeeze %dma_start3A_148 : memref<1x16xf32, #tpu.memory_space<hbm>> -> memref<16xf32, #tpu.memory_space<hbm>>
      tpu.enqueue_dma source(%arg15 : memref<16xf32, #tpu.memory_space<vmem>>) target(%dma_start3A_149 : memref<16xf32, #tpu.memory_space<hbm>>) target_semaphore(%run_scoped3A : memref<!tpu.dma_semaphore, #tpu.memory_space<semaphore_mem>>)
      %dma_wait3A_150 = arith.constant 0 : i32
      %dma_wait3A_151 = tpu.memref_slice %arg9[%add3A, %dma_wait3A_150] : memref<32x16xf32, #tpu.memory_space<hbm>> -> memref<1x16xf32, #tpu.memory_space<hbm>>
      %dma_wait3A_152 = tpu.memref_squeeze %dma_wait3A_151 : memref<1x16xf32, #tpu.memory_space<hbm>> -> memref<16xf32, #tpu.memory_space<hbm>>
      %dma_wait3A_153 = arith.constant 0 : i32
      %dma_wait3A_154 = tpu.memref_slice %arg9[%add3A, %dma_wait3A_153] : memref<32x16xf32, #tpu.memory_space<hbm>> -> memref<1x16xf32, #tpu.memory_space<hbm>>
      %dma_wait3A_155 = tpu.memref_squeeze %dma_wait3A_154 : memref<1x16xf32, #tpu.memory_space<hbm>> -> memref<16xf32, #tpu.memory_space<hbm>>
      tpu.wait_dma2 semaphore(%run_scoped3A : memref<!tpu.dma_semaphore, #tpu.memory_space<semaphore_mem>>) src(%arg15 : memref<16xf32, #tpu.memory_space<vmem>>) dst(%dma_wait3A_155 : memref<16xf32, #tpu.memory_space<hbm>>)
      tpu.yield
    }) : () -> ()
    return
  }
}

module attributes {stable_mosaic.version = 14 : i64} {
  func.func @_lse_body(%arg0: i32, %arg1: memref<256x8192xf32, #tpu.memory_space<vmem>>, %arg2: memref<256x1xf32, #tpu.memory_space<vmem>>) attributes {dimension_semantics = [#tpu.dimension_semantics<arbitrary>], iteration_bounds = array<i64: 32>, scalar_prefetch = 0 : i64, scratch_operands = 0 : i64, tpu.core_type = #tpu.core_type<tc>, window_params = [{transform_indices = @transform_0, window_bounds = array<i64: 256, 8192>}, {transform_indices = @transform_1, window_bounds = array<i64: 256, 1>}]} {
    %get3A = arith.constant 0 : index
    %get3A_0 = arith.constant 0 : index
    %get3A_1 = vector.load %arg1[%get3A, %get3A_0] : memref<256x8192xf32, #tpu.memory_space<vmem>>, vector<256x8192xf32>
    %reduce_max3A = arith.constant dense<0xFF800000> : vector<256xf32>
    %reduce_max3A_2 = vector.multi_reduction <maximumf>, %get3A_1, %reduce_max3A [1] : vector<256x8192xf32> to vector<256xf32>
    %broadcast_in_dim3A = vector.shape_cast %reduce_max3A_2 : vector<256xf32> to vector<256x1xf32>
    %sub3A = vector.broadcast %broadcast_in_dim3A : vector<256x1xf32> to vector<256x8192xf32>
    %sub3A_3 = arith.subf %get3A_1, %sub3A : vector<256x8192xf32>
    %exp3A = math.exp %sub3A_3 : vector<256x8192xf32>
    %reduce_sum3A = arith.constant dense<0.000000e+00> : vector<256xf32>
    %reduce_sum3A_4 = vector.multi_reduction <add>, %exp3A, %reduce_sum3A [1] : vector<256x8192xf32> to vector<256xf32>
    %broadcast_in_dim3A_5 = vector.shape_cast %reduce_sum3A_4 : vector<256xf32> to vector<256x1xf32>
    %log3A = math.log %broadcast_in_dim3A_5 : vector<256x1xf32>
    %add3A = arith.addf %broadcast_in_dim3A, %log3A : vector<256x1xf32>
    %swap3A = arith.constant 0 : index
    %swap3A_6 = arith.constant 0 : index
    %swap3A_7 = vector.load %arg2[%swap3A, %swap3A_6] : memref<256x1xf32, #tpu.memory_space<vmem>>, vector<256x1xf32>
    tpu.vector_store %arg2[%swap3A, %swap3A_6], %add3A {strides = array<i32>} : memref<256x1xf32, #tpu.memory_space<vmem>>, vector<256x1xf32>,
    return
  }
  func.func @transform_0(%arg0: i32) -> (i32, i32) {
    %c0_i32 = arith.constant 0 : i32
    %c0_i32_0 = arith.constant 0 : i32
    return %arg0, %c0_i32 : i32, i32
  }
  func.func @transform_1(%arg0: i32) -> (i32, i32) {
    %c0_i32 = arith.constant 0 : i32
    %c0_i32_0 = arith.constant 0 : i32
    return %arg0, %c0_i32 : i32, i32
  }
}

</mosaic_0001>

<sc_bundles>
// kernel: kernel.4.cloned.1.call-start
scs
__scs_entry_jumppad:
0x0: {  	(pc) =	sbr.rel $0x88, $3  }
0x1: {  	(tag) =	ssettag $0x0;
	lr =	simm.s32 $0x1  }
0x2: {  	[smem:$0x3F9E] =	sst lr;
	_ =	strace $0xD0000000  }
0x3: {  	_ = 	snop  }
0x4: {  	_ = 	snop  }
0x5: {  	_ = 	snop  }
0x6: {  	_ = 	snop  }
0x7: {  	_ = 	snop  }
__scs_overlays_trampoline_lowered:
0x8: {  	[smem:$0x3FAD] =	sst s0  }
0x9: {  	[smem:$0x3FAE] =	sst s1  }
0xa: {  	[smem:$0x3FAF] =	sst s2  }
0xb: {  	[smem:$0x3FB0] =	sst s3  }
0xc: {  	[smem:$0x3FB1] =	sst s4  }
0xd: {  	[smem:$0x3FB2] =	sst s5  }
0xe: {  	[smem:$0x3FB3] =	sst s6  }
0xf: {  	[smem:$0x3FB4] =	sst s7  }
0x10: {  	[smem:$0x3FB5] =	sst s8  }
0x11: {  	[smem:$0x3FB6] =	sst s9;
	s0 =	simm.s32 @!p0 $0x0  }
0x12: {  	s1 =	sld [smem:$0x3F9C];
	s0 =	simm.s32 @p0 $0x1  }
0x13: {  	[smem:$0x3FB7] =	sst s0;
	s0 =	simm.s32 @!p1 $0x0  }
0x14: {  	s2 =	sld [smem:$0x3F9B];
	s0 =	simm.s32 @p1 $0x1  }
0x15: {  	[smem:$0x3FB8] =	sst s0;
	s0 =	simm.s32 @!p2 $0x0  }
0x16: {  	s3 =	sld [smem:$0x3FDB];
	s0 =	simm.s32 @p2 $0x1  }
0x17: {  	s4 =	simm.s32 $0x1BF5;
	[smem:$0x3FBA] =	sst s0  }
0x18: {  	s0 =	sld [smem:$0x3F9D];
	_ =	swait.ge [sflag:s4], $0x0  }
0x19: {  	s7 =	sld [smem:$0x3F9E]  }
0x1a: {  	s8 =	sadd.s32 $0xFFFFE003, lr  }
0x1b: {  	s9 =	sadd.s32 $0xFFFFFEF7, lr;
	s5 =	simm.s32 $0xFFFFFFFF;
	p2 =	slt.u32 s8, $0xFFFFF086  }
0x1c: {  	p1 =	slt.u32 s9, $0xF7A;
	s5 =	simm.s32 @!p2 $0x0  }
0x1d: {  	s5 =	simm.s32 @p1 $0x1;
	p0 =	seq.s32 s7, s2  }
0x1e: {  	s7 =	smul.u32 @!p0 $0xF7A, s2;
	p2 =	seq.s32 @!p0 s5, $0x0  }
0x1f: {  	s9 =	smul.u32 $0xF7A, s1;
	s8 =	simm.s32 @!p0 $0x1BF5;
	p2 =	por !p2, p0  }
0x20: {  	[sflag:s8] =	ssyncset.s32 @!p0 $0xFFFFF086;
	s6 =	sadd.s32 @!p0 s3, s7;
	s7 =	simm.s32 @!p0 $0x108  }
0x21: {  	s3 =	sadd.s32 s3, s9;
	s6 =	sadd.s32 @!p0 $0x88, s6;
	s7 =	simm.s32 @p2 $0x1082  }
0x22: {  	[simem:s7], [sflag:s8] =	dma.local @!p0 [hbm:s6], $0xF7A  }
0x23: {  	s9 =	sor.u32 $0xD0000000, s2;
	s6 =	simm.s32 $0x108;
	_ =	swait.ge @!p0 [sflag:s8], $0x0  }
0x24: {  	s3 =	sadd.s32 $0x88, s3;
	s6 =	simm.s32 @!p1 $0x1082;
	[sflag:s4] =	ssyncset.s32 $0xFFFFF086  }
0x25: {  	[simem:s6], [sflag:s4] =	dma.local [hbm:s3], $0xF7A  }
0x26: {  	[smem:$0x3F9E] =	sst s1;
	(tag) =	ssettag s2;
	_ =	strace s9  }
0x27: {  	s1 =	sld [smem:$0x3FAE]  }
0x28: {  	s2 =	sld [smem:$0x3FAF]  }
0x29: {  	s4 =	sld [smem:$0x3FB1]  }
0x2a: {  	p0 =	seq.s32 s5, $0x0;
	s5 =	sld [smem:$0x3FB2]  }
0x2b: {  	s6 =	sld [smem:$0x3FB3]  }
0x2c: {  	s7 =	sld [smem:$0x3FB4]  }
0x2d: {  	s3 =	simm.s32 $0x108;
	s8 =	sld [smem:$0x3FB5]  }
0x2e: {  	s3 =	simm.s32 @!p0 $0x1082;
	s9 =	sld [smem:$0x3FB6]  }
0x2f: {  	lr =	sadd.s32 s0, s3;
	s0 =	sld [smem:$0x3FAD]  }
0x30: {  	s3 =	sld [smem:$0x3FB0]  }
0x31: {  	[smem:$0x3FB9] =	sst s10  }
0x32: {  	s10 =	sld [smem:$0x3FB7];
	_ =	sdelay $0x3  }
0x33: {  	p0 =	seq.s32 s10, $0x1;
	s10 =	sld [smem:$0x3FB9];
	_ =	sdelay $0x3  }
0x34: {  	[smem:$0x3FB9] =	sst s10  }
0x35: {  	s10 =	sld [smem:$0x3FB8];
	_ =	sdelay $0x3  }
0x36: {  	p1 =	seq.s32 s10, $0x1;
	s10 =	sld [smem:$0x3FB9];
	_ =	sdelay $0x3  }
0x37: {  	[smem:$0x3FB9] =	sst s10  }
0x38: {  	s10 =	sld [smem:$0x3FBA]  }
0x39: {  	_ = 	snop;
	(pc) =	sbr.ind lr, $3  }
0x3a: {  	_ = 	snop  }
0x3b: {  	_ = 	snop  }
0x3c: {  	p2 =	seq.s32 s10, $0x1;
	s10 =	sld [smem:$0x3FB9]  }
0x3d: {  	_ =	shalt  }
0x3e: {  	_ =	shalt  }
0x3f: {  	_ =	shalt  }
0x40: {  	_ =	shalt  }
0x41: {  	_ =	shalt  }
0x42: {  	_ =	shalt  }
0x43: {  	_ =	shalt  }
0x44: {  	_ =	shalt  }
0x45: {  	_ =	shalt  }
0x46: {  	_ =	shalt  }
0x47: {  	_ =	shalt  }
0x48: {  	_ =	shalt  }
0x49: {  	_ =	shalt  }
0x4a: {  	_ =	shalt  }
0x4b: {  	_ =	shalt  }
0x4c: {  	_ =	shalt  }
0x4d: {  	_ =	shalt  }
0x4e: {  	_ =	shalt  }
0x4f: {  	_ =	shalt  }
0x50: {  	_ =	shalt  }
0x51: {  	_ =	shalt  }
0x52: {  	_ =	shalt  }
0x53: {  	_ =	shalt  }
0x54: {  	_ =	shalt  }
0x55: {  	_ =	shalt  }
0x56: {  	_ =	shalt  }
0x57: {  	_ =	shalt  }
0x58: {  	_ =	shalt  }
0x59: {  	_ =	shalt  }
0x5a: {  	_ =	shalt  }
0x5b: {  	_ =	shalt  }
0x5c: {  	_ =	shalt  }
0x5d: {  	_ =	shalt  }
0x5e: {  	_ =	shalt  }
0x5f: {  	_ =	shalt  }
0x60: {  	_ =	shalt  }
0x61: {  	_ =	shalt  }
0x62: {  	_ =	shalt  }
0x63: {  	_ =	shalt  }
0x64: {  	_ =	shalt  }
0x65: {  	_ =	shalt  }
0x66: {  	_ =	shalt  }
0x67: {  	_ =	shalt  }
0x68: {  	_ =	shalt  }
0x69: {  	_ =	shalt  }
0x6a: {  	_ =	shalt  }
0x6b: {  	_ =	shalt  }
0x6c: {  	_ =	shalt  }
0x6d: {  	_ =	shalt  }
0x6e: {  	_ =	shalt  }
0x6f: {  	_ =	shalt  }
0x70: {  	_ =	shalt  }
0x71: {  	_ =	shalt  }
0x72: {  	_ =	shalt  }
0x73: {  	_ =	shalt  }
0x74: {  	_ =	shalt  }
0x75: {  	_ =	shalt  }
0x76: {  	_ =	shalt  }
0x77: {  	_ =	shalt  }
0x78: {  	_ =	shalt  }
0x79: {  	_ =	shalt  }
0x7a: {  	_ =	shalt  }
0x7b: {  	_ =	shalt  }
0x7c: {  	_ =	shalt  }
0x7d: {  	_ =	shalt  }
0x7e: {  	_ =	shalt  }
0x7f: {  	_ =	shalt  }
0x80: {  	_ =	shalt  }
0x81: {  	_ =	shalt  }
0x82: {  	_ =	shalt  }
0x83: {  	_ =	shalt  }
0x84: {  	_ =	shalt  }
0x85: {  	_ =	shalt  }
0x86: {  	_ =	shalt  }
0x87: {  	_ =	shalt  }
.Lfunc_end0:
.L_simem_size_0:
called_computation.1_lowered:
.L_overlay_start_0:
0x88: {  	s2 =	sld [smem:$0x3FD9]  }
0x89: {  	s3 =	sld [smem:$0x3FFE];
	_ =	sdelay $0x1  }
0x8a: {  	s1 =	srdreg.scid  }
0x8b: {  	s0 =	sand.u32 $0x1, s1  }
0x8c: {  	s14 =	sshll.u32 s0, $0xA;
	s2 =	sadd.s32 s3, s2  }
0x8d: {  	s2 =	sadd.s32 s2, s14  }
0x8e: {  	[smem:$0x3FC5] =	sst s2  }
0x8f: {  	_ = 	snop  }
0x90: {  	s2 =	sld [smem:$0x3FD0];
	_ =	sdelay $0x2  }
0x91: {  	s4 =	simm.s32 $0xA;
	s5 =	simm.s32 $0x10;
	s15 =	sld [smem:$0x3FC7]  }
0x92: {  	[smem:s5], [sflag:s4] =	dma.local [hbm:s2], $0x1  }
0x93: {  	_ =	swait.eq [sflag:s4], $0x1  }
0x94: {  	[sflag:s4] =	ssyncset.done $0x0  }
0x95: {  	[sflag:s4] =	ssyncadd.s32 $0xFFFFFFFF  }
0x96: {  	s16 =	sld [smem:$0x10];
	(tm) =	ssettm $0x1  }
0x97: {  	s17 =	sld [smem:$0x3FFB];
	_ =	sdelay $0x3  }
0x98: {  	_ =	strace s17  }
0x99: {  	s4 =	sld [smem:$0x3FFC];
	_ =	sdelay $0x3  }
0x9a: {  	_ =	strace s4  }
0x9b: {  	s4 =	sld [smem:$0x3FFD];
	_ =	sdelay $0x3  }
0x9c: {  	_ =	strace s4  }
0x9d: {  	_ =	strace $0x8FFFFFFF  }
0x9e: {  	s18 =	sld [smem:$0x3FDB];
	_ =	sdelay $0x1  }
0x9f: {  	s19 =	simm.s32 $_scs_section_size  }
0xa0: {  	s6 =	simm.s32 $_size__tile_overlayer_lowered;
	s7 =	simm.s32 $_tile_overlayer_lowered  }
0xa1: {  	s22 =	simm.s32 $0x1BFF;
	s21 =	sshll.u32 s7, $0x1;
	s4 =	sadd.s32 s19, s18  }
0xa2: {  	s8 =	simm.s32 $0x0;
	s20 =	sshll.u32 s6, $0x1;
	s6 =	sadd.s32 s21, s4  }
0xa3: {  	[timem:s8], [sflag:s22] =	dma.local [hbm:s6], s20  }
0xa4: {  	_ =	swait.ge [sflag:s22], s20  }
0xa5: {  	s5 =	ssub.s32 $0x0, s20;
	[sflag:s22] =	ssyncset.done $0x0  }
0xa6: {  	[sflag:s22] =	ssyncadd.s32 s5;
	_ =	sdelay $0x1  }
0xa7: {  	s23 =	simm.s32 $0x1B8B  }
0xa8: {  	_ =	swait.ge [sflag:s23], $0x1  }
0xa9: {  	[sflag:s23] =	ssyncset.done $0x0  }
0xaa: {  	s25 =	simm.s32 $0x1B8E;
	s24 =	sld [smem:$0x3FFE];
	[sflag:s23] =	ssyncadd.s32 $0xFFFFFFFF  }
0xab: {  	s26 =	simm.s32 $execute0_lowered;
	[smem:$0x3FD2] =	sst s25  }
0xac: {  	s6 =	sshll.u32 s26, $0x1;
	_ =	strace $0x80000049;
	[dreg:$0x1] =	wrdreg $0xFFFFFFFF  }
0xad: {  	s28 =	simm.s32 $_size_execute0_lowered;
	s4 =	sadd.s32 s4, s6;
	[dreg:$0x0] =	wrdreg $0x0  }
0xae: {  	s6 =	sshll.u32 s28, $0x1;
	[dreg:$0x2] =	wrdreg s4  }
0xaf: {  	[dreg:$0x3] =	wrdreg s6  }
0xb0: {  	[dreg:$0x4] =	wrdreg $0xC0  }
0xb1: {  	_ =	task [dreg:s8], $0x5FFFF  }
0xb2: {  	[dreg:$0x1] =	wrdreg $0xFFFFFFFF  }
0xb3: {  	[dreg:$0x0] =	wrdreg $0x60  }
0xb4: {  	[dreg:$0x2] =	wrdreg s15  }
0xb5: {  	[dreg:$0x3] =	wrdreg s24  }
0xb6: {  	[dreg:$0x4] =	wrdreg s16  }
0xb7: {  	[dreg:$0x5] =	wrdreg $0x9  }
0xb8: {  	_ =	task.clear_ibuf [dreg:s8], $0x6FFFF;
	_ =	strace $0x90000049  }
0xb9: {  	s29 =	simm.s32 $0x9;
	_ =	strace $0x8000004B  }
0xba: {  	_ =	swait.ge [sflag:s29], $0x1  }
0xbb: {  	[sflag:s29] =	ssyncadd.s32 $0xFFFFFFFF  }
0xbc: {  	_ =	strace $0x9000004B  }
0xbd: {  	_ =	sfence  }
0xbe: {  	s30 =	sld [smem:$0x0];
	_ =	sdelay $0x2  }
0xbf: {  	s31 =	sshll.u32 s1, $0xD;
	s1 =	sshrl.u32 s1, $0x2  }
0xc0: {  	s3 =	sand.u32 $0x4000, s31;
	s1 =	sadd.s32 s1, s30  }
0xc1: {  	s0 =	sor.u32 s3, s0;
	s1 =	sshll.u32 s1, $0x11  }
0xc2: {  	s0 =	sor.u32 s1, s0  }
0xc3: {  	s0 =	sadd.s32 $0x8F2B, s0  }
0xc4: {  	[sflag:s0] =	ssyncadd.remote.s32 $0x1  }
0xc5: {  	_ =	sfence.sel $0xFFFF  }
0xc6: {  	[dreg:$0x0] =	wrdreg $0xFFFFFFFF;
	(pc) =	sbr.abs _section_cstart, $3  }
0xc7: {  	[dreg:$0x1] =	wrdreg $0xFFFFFFFF  }
0xc8: {  	_ =	task.clear_ibuf [dreg:s8], $0x2FFFF;
	_ =	strace $0x9FFFFFFF  }
0xc9: {  	(tm) =	ssettm $0x7FFFFFFF  }
tec
execute0_lowered:
.L_overlay_start_1:
0x0: {  	(tag) =	ssettag $0x1  }
0x1: {  	s1 =	rddreg [dreg:$0x0]  }
0x2: {  	s0 =	rddreg [dreg:$0x1]  }
0x3: {  	s2 =	rddreg [dreg:$0x2]  }
0x4: {  	s3 =	simm.s32 $0x0;
	s4 =	srdreg.scid;
	s21 =	stileid.u32  }
0x5: {  	s29 =	simm.s32 $0x200;
	s31 =	simm.s32 $0x2;
	s28 =	simm.s32 $0x3  }
0x6: {  	[smem:$0x7FF] =	sst s3;
	s4 =	sand.u32 $0x1, s4;
	s5 =	sshll.u32 s21, $0x1  }
0x7: {  	s6 =	sadd.s32 $0x800, s0;
	s8 =	sadd.s32 $0x811000, s0;
	s10 =	sadd.s32 $0x400, s1  }
0x8: {  	s11 =	sadd.s32 $0x600, s1;
	s12 =	sadd.s32 $0x800, s1;
	s13 =	sadd.s32 $0xA00, s1  }
0x9: {  	s14 =	sadd.s32 $0xC00, s1;
	s15 =	sadd.s32 $0xE00, s1;
	s16 =	sadd.s32 $0x1000, s1  }
0xa: {  	s17 =	sadd.s32 $0x1200, s1;
	s18 =	sadd.s32 $0x1400, s1;
	s19 =	sadd.s32 $0x1600, s1  }
0xb: {  	s25 =	sshll.u32 s21, $0x14;
	_ =	strace $0x8000004A;
	[dreg:$0x4] =	wrdreg s6  }
0xc: {  	s21 =	sadd.s32 $0x1A00, s1;
	s5 =	sor.u32 s4, s5;
	[dreg:$0x5] =	wrdreg s8  }
0xd: {  	s22 =	ssub.s32 $0x2, s4;
	s2 =	sadd.s32 s25, s2;
	s4 =	sshll.u32 s4, $0x13  }
0xe: {  	s8 =	simm.s32 $0xC880;
	s20 =	sshll.u32 s5, $0xB;
	s7 =	sshll.u32 s5, $0x6  }
0xf: {  	s5 =	sshll.u32 s5, $0x4;
	s23 =	sshrl.u32 s22, $0x1;
	s2 =	sadd.s32 s4, s2  }
0x10: {  	s4 =	simm.s32 $0x1;
	s6 =	sadd.s32 s20, s0;
	s7 =	sadd.s32 s7, s0  }
0x11: {  	s0 =	sadd.s32 s5, s0;
	s5 =	ssub.s32 s22, s23;
	s20 =	sadd.s32 $0x1800, s1  }
0x12: {  	s22 =	sadd.s32 $0x1C00, s1;
	s30 =	sadd.s32 $0x40, s2;
	s2 =	simm.s32 $0x4880  }
0x13: {  	s23 =	simm.s32 $0x0;
	s9 =	sadd.s32 $0x810800, s7;
	[dreg:$0xb] =	wrdreg s30  }
.Ltmp0:
0x14: {  	s6 =	sadd.s32 $0x800800, s6;
	[dreg:$0x6] =	wrdreg s9;
	(pc) =	sbr.rel .LBB2_1-.Ltmp0, $4  }
0x15: {  	s24 =	sadd.s32 $0x811400, s7;
	s0 =	sadd.s32 $0x811C00, s0;
	[dreg:$0x7] =	wrdreg s6  }
0x16: {  	v0 =	vlaneseq.u32;
	s26 =	smax.u32 s5, $0x1;
	s7 =	simm.s32 $0x6;
	[dreg:$0x8] =	wrdreg s24  }
0x17: {  	v1 =	vshrl.u32 v0, $0x2;
	s5 =	simm.s32 $0x400;
	s9 =	sadd.s32 $0x200, s1;
	[dreg:$0x9] =	wrdreg s0  }
0x18: {  	vm0 =	vmmov $0xffff;
	v0 =	vand.u32 $0x3, v0;
	v1 =	vmul.u32 $0x8, v1;
	[dreg:$0xa] =	wrdreg s26;
	s26 =	sadd.s32 $0x1E00, s1;
	s0 =	simm.s32 $0x4  }
.LBB2_6:
0x19: {  	_ =	swait.ge [sflag:s0], $0x8000  }
0x1a: {  	[sflag:s0] =	ssyncset.done $0x0  }
0x1b: {  	s7 =	simm.s32 $0x4800;
	s6 =	rddreg [dreg:$0x9];
	[sflag:s0] =	ssyncadd.s32 $0xFFFF8000  }
0x1c: {  	[hbm4b:s6+s3] =	stream.linear.scatter [tilespmem:s7], [sflag:$0x6], $0x80, $0x38;
	[tilespmem:$0x14880] =	vst v63  }
0x1d: {  	s7 =	simm.s32 $0x6  }
0x1e: {  	_ =	swait.ge [sflag:s7], $0x80  }
0x1f: {  	s23 =	rddreg [dreg:$0xc]  }
0x20: {  	s30 =	rddreg [dreg:$0xa];
	s23 =	sadd.s32 $0x1, s23  }
0x21: {  	p0 =	sne.s32 s23, s30  }
.Ltmp1:
0x22: {  	_ = 	snop;
	(pc) =	sbr.rel @!p0 .LBB2_7-.Ltmp1, $3  }
0x23: {  	_ =	sdelay $0x1  }
0x24: {  	[sflag:s7] =	ssyncset.done $0x0  }
0x25: {  	[sflag:s7] =	ssyncadd.s32 $0xFFFFFF80  }
.LBB2_1:
0x26: {  	[dreg:$0xc] =	wrdreg s23  }
0x27: {  	s6 =	rddreg [dreg:$0x6]  }
0x28: {  	[tilespmem:s3], [sflag:$0x6] =	stream.linear.gather [hbm4b:s6+s3], $0x200, $0x38;
	[tilespmem:$0x14880] =	vst v63  }
0x29: {  	_ =	swait.ge [sflag:s7], $0x200  }
0x2a: {  	[sflag:s7] =	ssyncset.done $0x0  }
0x2b: {  	s23 =	rddreg [dreg:$0x7];
	[sflag:s7] =	ssyncadd.s32 $0xFFFFFE00  }
0x2c: {  	[tilespmem:s29], [sflag:$0x6] =	stream.linear.gather [hbm4b:s23+s3], $0x4000, $0x38;
	[tilespmem:$0x14880] =	vst v63  }
0x2d: {  	_ =	swait.ge [sflag:s7], $0x4000  }
0x2e: {  	[sflag:s7] =	ssyncset.done $0x0  }
0x2f: {  	s23 =	simm.s32 $0x4200;
	s24 =	rddreg [dreg:$0x8];
	[sflag:s7] =	ssyncadd.s32 $0xFFFFC000  }
0x30: {  	[tilespmem:s23], [sflag:$0x6] =	stream.linear.gather [hbm4b:s24+s3], $0x200, $0x38;
	[tilespmem:$0x14880] =	vst v63  }
0x31: {  	_ =	swait.ge [sflag:s7], $0x200  }
0x32: {  	s25 =	simm.s32 $0x4600;
	[sflag:s7] =	ssyncset.done $0x0  }
0x33: {  	s24 =	simm.s32 $0x80;
	s6 =	rddreg [dreg:$0x4];
	[sflag:s7] =	ssyncadd.s32 $0xFFFFFE00  }
0x34: {  	[tilespmem:s25], [sflag:$0x5] =	stream.indirect.gather [hbm4b:s6+s24], $0x1, s23, s24, $0xb8;
	[tilespmem:$0x14880] =	vst v63  }
0x35: {  	s7 =	rddreg [dreg:$0x5];
	s25 =	simm.s32 $0x4400  }
0x36: {  	[tilespmem:s25], [sflag:$0x5] =	stream.indirect.gather [hbm4b:s7+s24], $0x1, s3, s24, $0xb8;
	[tilespmem:$0x14880] =	vst v63  }
0x37: {  	s30 =	simm.s32 $0x4680;
	s25 =	simm.s32 $0x4280  }
0x38: {  	[tilespmem:s30], [sflag:$0x5] =	stream.indirect.gather [hbm4b:s6+s24], $0x1, s25, s24, $0xb8;
	[tilespmem:$0x14880] =	vst v63  }
0x39: {  	s25 =	simm.s32 $0x4480  }
0x3a: {  	[tilespmem:s25], [sflag:$0x5] =	stream.indirect.gather [hbm4b:s7+s24], $0x1, s24, s24, $0xb8;
	[tilespmem:$0x14880] =	vst v63  }
0x3b: {  	s30 =	simm.s32 $0x4700;
	s25 =	simm.s32 $0x4300  }
0x3c: {  	[tilespmem:s30], [sflag:$0x5] =	stream.indirect.gather [hbm4b:s6+s24], $0x1, s25, s24, $0xb8;
	[tilespmem:$0x14880] =	vst v63  }
0x3d: {  	s25 =	simm.s32 $0x100;
	s30 =	simm.s32 $0x4500  }
0x3e: {  	[tilespmem:s30], [sflag:$0x5] =	stream.indirect.gather [hbm4b:s7+s24], $0x1, s25, s24, $0xb8;
	[tilespmem:$0x14880] =	vst v63  }
0x3f: {  	s25 =	simm.s32 $0x4380;
	s30 =	simm.s32 $0x4780  }
0x40: {  	[tilespmem:s30], [sflag:$0x5] =	stream.indirect.gather [hbm4b:s6+s24], $0x1, s25, s24, $0xb8;
	[tilespmem:$0x14880] =	vst v63  }
0x41: {  	s23 =	simm.s32 $0x180;
	s25 =	simm.s32 $0x4580  }
0x42: {  	[tilespmem:s25], [sflag:$0x5] =	stream.indirect.gather [hbm4b:s7+s24], $0x1, s23, s24, $0xb8;
	[tilespmem:$0x14880] =	vst v63  }
0x43: {  	v2 =	vld.msk [tilespmem:$0x200], $0xf;
	_ =	sdelay $0x4  }
0x44: {  	v3 =	vshll.u32 v2, $0x6  }
0x45: {  	v2 =	vand.u32 $0x7, v2;
	v3 =	vand.u32 $0xFFFFFE00, v3  }
0x46: {  	v2 =	vor.u32 v2, v3  }
0x47: {  	v2 =	vperm.xlane v2, v0;
	_ =	sdelay $0x1  }
0x48: {  	v2 =	vadd.s32 v1, v2;
	_ =	sdelay $0x4  }
0x49: {  	[tilespmem:s2], [sflag:$0x1] =	stream.indirect_vreg.gather [hbm4b:s1+s3], $0x80, v2, vm0, $0xb8;
	[tilespmem:$0x14880] =	vst v63  }
0x4a: {  	s24 =	simm.s32 $0x5080  }
0x4b: {  	[tilespmem:s24], [sflag:$0x1] =	stream.indirect_vreg.gather [hbm4b:s9+s3], $0x80, v2, vm0, $0xb8;
	[tilespmem:$0x14880] =	vst v63  }
0x4c: {  	s30 =	simm.s32 $0x5880  }
0x4d: {  	[tilespmem:s30], [sflag:$0x1] =	stream.indirect_vreg.gather [hbm4b:s10+s3], $0x80, v2, vm0, $0xb8;
	[tilespmem:$0x14880] =	vst v63  }
0x4e: {  	s23 =	simm.s32 $0x6080  }
0x4f: {  	[tilespmem:s23], [sflag:$0x1] =	stream.indirect_vreg.gather [hbm4b:s11+s3], $0x80, v2, vm0, $0xb8;
	[tilespmem:$0x14880] =	vst v63  }
0x50: {  	s25 =	simm.s32 $0x6880  }
0x51: {  	[tilespmem:s25], [sflag:$0x1] =	stream.indirect_vreg.gather [hbm4b:s12+s3], $0x80, v2, vm0, $0xb8;
	[tilespmem:$0x14880] =	vst v63  }
0x52: {  	s7 =	simm.s32 $0x7080  }
0x53: {  	[tilespmem:s7], [sflag:$0x1] =	stream.indirect_vreg.gather [hbm4b:s13+s3], $0x80, v2, vm0, $0xb8;
	[tilespmem:$0x14880] =	vst v63  }
0x54: {  	s23 =	simm.s32 $0x7880  }
0x55: {  	[tilespmem:s23], [sflag:$0x1] =	stream.indirect_vreg.gather [hbm4b:s14+s3], $0x80, v2, vm0, $0xb8;
	[tilespmem:$0x14880] =	vst v63  }
0x56: {  	s25 =	simm.s32 $0x8080  }
0x57: {  	[tilespmem:s25], [sflag:$0x1] =	stream.indirect_vreg.gather [hbm4b:s15+s3], $0x80, v2, vm0, $0xb8;
	[tilespmem:$0x14880] =	vst v63  }
0x58: {  	s7 =	simm.s32 $0x8880  }
0x59: {  	[tilespmem:s7], [sflag:$0x1] =	stream.indirect_vreg.gather [hbm4b:s16+s3], $0x80, v2, vm0, $0xb8;
	[tilespmem:$0x14880] =	vst v63  }
0x5a: {  	s23 =	simm.s32 $0x9080  }
0x5b: {  	[tilespmem:s23], [sflag:$0x1] =	stream.indirect_vreg.gather [hbm4b:s17+s3], $0x80, v2, vm0, $0xb8;
	[tilespmem:$0x14880] =	vst v63  }
0x5c: {  	s25 =	simm.s32 $0x9880  }
0x5d: {  	[tilespmem:s25], [sflag:$0x1] =	stream.indirect_vreg.gather [hbm4b:s18+s3], $0x80, v2, vm0, $0xb8;
	[tilespmem:$0x14880] =	vst v63  }
0x5e: {  	s7 =	simm.s32 $0xA080  }
0x5f: {  	[tilespmem:s7], [sflag:$0x1] =	stream.indirect_vreg.gather [hbm4b:s19+s3], $0x80, v2, vm0, $0xb8;
	[tilespmem:$0x14880] =	vst v63  }
0x60: {  	s23 =	simm.s32 $0xA880  }
0x61: {  	[tilespmem:s23], [sflag:$0x1] =	stream.indirect_vreg.gather [hbm4b:s20+s3], $0x80, v2, vm0, $0xb8;
	[tilespmem:$0x14880] =	vst v63  }
0x62: {  	s25 =	simm.s32 $0xB080  }
0x63: {  	[tilespmem:s25], [sflag:$0x1] =	stream.indirect_vreg.gather [hbm4b:s21+s3], $0x80, v2, vm0, $0xb8;
	[tilespmem:$0x14880] =	vst v63  }
0x64: {  	s7 =	simm.s32 $0xB880  }
0x65: {  	[tilespmem:s7], [sflag:$0x1] =	stream.indirect_vreg.gather [hbm4b:s22+s3], $0x80, v2, vm0, $0xb8;
	[tilespmem:$0x14880] =	vst v63  }
0x66: {  	s23 =	simm.s32 $0xC080  }
0x67: {  	[tilespmem:s23], [sflag:$0x1] =	stream.indirect_vreg.gather [hbm4b:s26+s3], $0x80, v2, vm0, $0xb8;
	[tilespmem:$0x14880] =	vst v63  }
0x68: {  	v2 =	vld.msk [tilespmem:$0x280], $0xf;
	_ =	sdelay $0x4  }
0x69: {  	v3 =	vshll.u32 v2, $0x6  }
0x6a: {  	v2 =	vand.u32 $0x7, v2;
	v3 =	vand.u32 $0xFFFFFE00, v3  }
0x6b: {  	v2 =	vor.u32 v2, v3  }
0x6c: {  	v2 =	vperm.xlane v2, v0;
	_ =	sdelay $0x1  }
0x6d: {  	v2 =	vadd.s32 v1, v2;
	_ =	sdelay $0x4  }
0x6e: {  	[tilespmem:s8], [sflag:$0x2] =	stream.indirect_vreg.gather [hbm4b:s1+s3], $0x80, v2, vm0, $0xb8;
	[tilespmem:$0x14880] =	vst v63  }
0x6f: {  	s25 =	simm.s32 $0xD080  }
0x70: {  	[tilespmem:s25], [sflag:$0x2] =	stream.indirect_vreg.gather [hbm4b:s9+s3], $0x80, v2, vm0, $0xb8;
	[tilespmem:$0x14880] =	vst v63  }
0x71: {  	s7 =	simm.s32 $0xD880  }
0x72: {  	[tilespmem:s7], [sflag:$0x2] =	stream.indirect_vreg.gather [hbm4b:s10+s3], $0x80, v2, vm0, $0xb8;
	[tilespmem:$0x14880] =	vst v63  }
0x73: {  	s23 =	simm.s32 $0xE080  }
0x74: {  	[tilespmem:s23], [sflag:$0x2] =	stream.indirect_vreg.gather [hbm4b:s11+s3], $0x80, v2, vm0, $0xb8;
	[tilespmem:$0x14880] =	vst v63  }
0x75: {  	s25 =	simm.s32 $0xE880  }
0x76: {  	[tilespmem:s25], [sflag:$0x2] =	stream.indirect_vreg.gather [hbm4b:s12+s3], $0x80, v2, vm0, $0xb8;
	[tilespmem:$0x14880] =	vst v63  }
0x77: {  	s7 =	simm.s32 $0xF080  }
0x78: {  	[tilespmem:s7], [sflag:$0x2] =	stream.indirect_vreg.gather [hbm4b:s13+s3], $0x80, v2, vm0, $0xb8;
	[tilespmem:$0x14880] =	vst v63  }
0x79: {  	s23 =	simm.s32 $0xF880  }
0x7a: {  	[tilespmem:s23], [sflag:$0x2] =	stream.indirect_vreg.gather [hbm4b:s14+s3], $0x80, v2, vm0, $0xb8;
	[tilespmem:$0x14880] =	vst v63  }
0x7b: {  	s25 =	simm.s32 $0x10080  }
0x7c: {  	[tilespmem:s25], [sflag:$0x2] =	stream.indirect_vreg.gather [hbm4b:s15+s3], $0x80, v2, vm0, $0xb8;
	[tilespmem:$0x14880] =	vst v63  }
0x7d: {  	s7 =	simm.s32 $0x10880  }
0x7e: {  	[tilespmem:s7], [sflag:$0x2] =	stream.indirect_vreg.gather [hbm4b:s16+s3], $0x80, v2, vm0, $0xb8;
	[tilespmem:$0x14880] =	vst v63  }
0x7f: {  	s23 =	simm.s32 $0x11080  }
0x80: {  	[tilespmem:s23], [sflag:$0x2] =	stream.indirect_vreg.gather [hbm4b:s17+s3], $0x80, v2, vm0, $0xb8;
	[tilespmem:$0x14880] =	vst v63  }
0x81: {  	s25 =	simm.s32 $0x11880  }
0x82: {  	[tilespmem:s25], [sflag:$0x2] =	stream.indirect_vreg.gather [hbm4b:s18+s3], $0x80, v2, vm0, $0xb8;
	[tilespmem:$0x14880] =	vst v63  }
0x83: {  	s7 =	simm.s32 $0x12080  }
0x84: {  	[tilespmem:s7], [sflag:$0x2] =	stream.indirect_vreg.gather [hbm4b:s19+s3], $0x80, v2, vm0, $0xb8;
	[tilespmem:$0x14880] =	vst v63  }
0x85: {  	s23 =	simm.s32 $0x12880  }
0x86: {  	[tilespmem:s23], [sflag:$0x2] =	stream.indirect_vreg.gather [hbm4b:s20+s3], $0x80, v2, vm0, $0xb8;
	[tilespmem:$0x14880] =	vst v63  }
0x87: {  	s25 =	simm.s32 $0x13080  }
0x88: {  	[tilespmem:s25], [sflag:$0x2] =	stream.indirect_vreg.gather [hbm4b:s21+s3], $0x80, v2, vm0, $0xb8;
	[tilespmem:$0x14880] =	vst v63  }
0x89: {  	s7 =	simm.s32 $0x13880  }
0x8a: {  	[tilespmem:s7], [sflag:$0x2] =	stream.indirect_vreg.gather [hbm4b:s22+s3], $0x80, v2, vm0, $0xb8;
	[tilespmem:$0x14880] =	vst v63  }
0x8b: {  	s23 =	simm.s32 $0x14080;
	s25 =	simm.s32 $0x5  }
0x8c: {  	[tilespmem:s23], [sflag:$0x2] =	stream.indirect_vreg.gather [hbm4b:s26+s3], $0x80, v2, vm0, $0xb8;
	[tilespmem:$0x14880] =	vst v63  }
0x8d: {  	_ =	swait.ge [sflag:s25], $0x80  }
0x8e: {  	[sflag:s25] =	ssyncset.done $0x0  }
0x8f: {  	[sflag:s25] =	ssyncadd.s32 $0xFFFFFF80  }
0x90: {  	_ =	swait.ge [sflag:s25], $0x80  }
0x91: {  	[sflag:s25] =	ssyncset.done $0x0  }
0x92: {  	[sflag:s25] =	ssyncadd.s32 $0xFFFFFF80  }
0x93: {  	_ =	swait.ge [sflag:s25], $0x80  }
0x94: {  	[sflag:s25] =	ssyncset.done $0x0  }
0x95: {  	[sflag:s25] =	ssyncadd.s32 $0xFFFFFF80  }
0x96: {  	_ =	swait.ge [sflag:s25], $0x80  }
0x97: {  	[sflag:s25] =	ssyncset.done $0x0  }
0x98: {  	[sflag:s25] =	ssyncadd.s32 $0xFFFFFF80  }
0x99: {  	_ =	swait.ge [sflag:s25], $0x80  }
0x9a: {  	[sflag:s25] =	ssyncset.done $0x0  }
0x9b: {  	[sflag:s25] =	ssyncadd.s32 $0xFFFFFF80  }
0x9c: {  	_ =	swait.ge [sflag:s25], $0x80  }
0x9d: {  	[sflag:s25] =	ssyncset.done $0x0  }
0x9e: {  	[sflag:s25] =	ssyncadd.s32 $0xFFFFFF80  }
0x9f: {  	_ =	swait.ge [sflag:s25], $0x80  }
0xa0: {  	[sflag:s25] =	ssyncset.done $0x0  }
0xa1: {  	[sflag:s25] =	ssyncadd.s32 $0xFFFFFF80  }
0xa2: {  	_ =	swait.ge [sflag:s25], $0x80  }
0xa3: {  	[sflag:s25] =	ssyncset.done $0x0  }
0xa4: {  	v2 =	vimm.f32 $0.0e+00;
	[sflag:s25] =	ssyncadd.s32 $0xFFFFFF80  }
0xa5: {  	s7 =	simm.s32 $0x0;
	[tilespmem:$0x4800] =	vst v2  }
0xa6: {  	s6 =	simm.s32 $0x40;
	v3 =	vld [tilespmem:s7+$0x4600]  }
.LBB2_2:
0xa7: {  	p0 =	sne.s32 s6, $0x7C0;
	v4 =	vld [tilespmem:s7+$0x4400];
	_ =	sdelay $0x4  }
0xa8: {  	v3 =	vsub.f32 v4, v3  }
.Ltmp2:
0xa9: {  	(pc) =	sbr.rel @p0 .LBB2_2-.Ltmp2, $3  }
0xaa: {  	v2 =	vadd.f32 v3, v2;
	_ =	sdelay $0x1  }
0xab: {  	s7 =	sshra.s32 s6, $0x2;
	[tilespmem:$0x4800] =	vst v2  }
0xac: {  	s6 =	sadd.s32 $0x40, s6;
	v3 =	vld [tilespmem:s7+$0x4600]  }
0xad: {  	v4 =	vld [tilespmem:s7+$0x4400];
	_ =	sdelay $0x4  }
0xae: {  	v3 =	vsub.f32 v4, v3;
	_ =	sdelay $0x1  }
0xaf: {  	v2 =	vadd.f32 v3, v2;
	_ =	sdelay $0x1  }
0xb0: {  	s6 =	simm.s32 $0x0;
	s7 =	rddreg [dreg:$0xb];
	[tilespmem:$0x4800] =	vst v2  }
.LBB2_4:
0xb1: {  	_ =	swait.ge [sflag:s4], $0x8000  }
0xb2: {  	[sflag:s4] =	ssyncset.done $0x0  }
0xb3: {  	s23 =	sadd.s32 $0xFFFFFFC0, s7;
	[sflag:s4] =	ssyncadd.s32 $0xFFFF8000  }
0xb4: {  	[hbm4b:s23+s29] =	stream.strided.scatter [tilespmem:s2], [sflag:$0x3], $0x8000, s5, s29, $0x38;
	[tilespmem:$0x14880] =	vst v63  }
0xb5: {  	_ =	swait.ge [sflag:s31], $0x8000  }
0xb6: {  	p0 =	seq.s32 s6, $0xFC00;
	[sflag:s31] =	ssyncset.done $0x0  }
.Ltmp3:
0xb7: {  	[sflag:s31] =	ssyncadd.s32 $0xFFFF8000;
	(pc) =	sbr.rel @p0 .LBB2_6-.Ltmp3, $4  }
0xb8: {  	[hbm4b:s7+s29] =	stream.strided.scatter [tilespmem:s8], [sflag:$0x4], $0x8000, s5, s29, $0x38;
	[tilespmem:$0x14880] =	vst v63  }
0xb9: {  	_ =	swait.ge [sflag:s28], $0x8000  }
0xba: {  	[sflag:s28] =	ssyncset.done $0x0  }
0xbb: {  	[sflag:s28] =	ssyncadd.s32 $0xFFFF8000  }
0xbc: {  	s23 =	sshra.s32 s6, $0x2  }
0xbd: {  	v2 =	vld.msk [tilespmem:s23+$0x300], $0xf;
	_ =	sdelay $0x4  }
0xbe: {  	v3 =	vshll.u32 v2, $0x6  }
0xbf: {  	v2 =	vand.u32 $0x7, v2;
	v3 =	vand.u32 $0xFFFFFE00, v3  }
0xc0: {  	v2 =	vor.u32 v2, v3  }
0xc1: {  	v2 =	vperm.xlane v2, v0;
	_ =	sdelay $0x1  }
0xc2: {  	v2 =	vadd.s32 v1, v2;
	_ =	sdelay $0x4  }
0xc3: {  	[tilespmem:s2], [sflag:$0x1] =	stream.indirect_vreg.gather [hbm4b:s1+s3], $0x80, v2, vm0, $0xb8;
	[tilespmem:$0x14880] =	vst v63  }
0xc4: {  	_ = 	snop  }
0xc5: {  	[tilespmem:s24], [sflag:$0x1] =	stream.indirect_vreg.gather [hbm4b:s9+s3], $0x80, v2, vm0, $0xb8;
	[tilespmem:$0x14880] =	vst v63  }
0xc6: {  	_ = 	snop  }
0xc7: {  	[tilespmem:s30], [sflag:$0x1] =	stream.indirect_vreg.gather [hbm4b:s10+s3], $0x80, v2, vm0, $0xb8;
	[tilespmem:$0x14880] =	vst v63  }
0xc8: {  	s25 =	simm.s32 $0x6080  }
0xc9: {  	[tilespmem:s25], [sflag:$0x1] =	stream.indirect_vreg.gather [hbm4b:s11+s3], $0x80, v2, vm0, $0xb8;
	[tilespmem:$0x14880] =	vst v63  }
0xca: {  	s25 =	simm.s32 $0x6880  }
0xcb: {  	[tilespmem:s25], [sflag:$0x1] =	stream.indirect_vreg.gather [hbm4b:s12+s3], $0x80, v2, vm0, $0xb8;
	[tilespmem:$0x14880] =	vst v63  }
0xcc: {  	s25 =	simm.s32 $0x7080  }
0xcd: {  	[tilespmem:s25], [sflag:$0x1] =	stream.indirect_vreg.gather [hbm4b:s13+s3], $0x80, v2, vm0, $0xb8;
	[tilespmem:$0x14880] =	vst v63  }
0xce: {  	s25 =	simm.s32 $0x7880  }
0xcf: {  	[tilespmem:s25], [sflag:$0x1] =	stream.indirect_vreg.gather [hbm4b:s14+s3], $0x80, v2, vm0, $0xb8;
	[tilespmem:$0x14880] =	vst v63  }
0xd0: {  	s25 =	simm.s32 $0x8080  }
0xd1: {  	[tilespmem:s25], [sflag:$0x1] =	stream.indirect_vreg.gather [hbm4b:s15+s3], $0x80, v2, vm0, $0xb8;
	[tilespmem:$0x14880] =	vst v63  }
0xd2: {  	s25 =	simm.s32 $0x8880  }
0xd3: {  	[tilespmem:s25], [sflag:$0x1] =	stream.indirect_vreg.gather [hbm4b:s16+s3], $0x80, v2, vm0, $0xb8;
	[tilespmem:$0x14880] =	vst v63  }
0xd4: {  	s25 =	simm.s32 $0x9080  }
0xd5: {  	[tilespmem:s25], [sflag:$0x1] =	stream.indirect_vreg.gather [hbm4b:s17+s3], $0x80, v2, vm0, $0xb8;
	[tilespmem:$0x14880] =	vst v63  }
0xd6: {  	s25 =	simm.s32 $0x9880  }
0xd7: {  	[tilespmem:s25], [sflag:$0x1] =	stream.indirect_vreg.gather [hbm4b:s18+s3], $0x80, v2, vm0, $0xb8;
	[tilespmem:$0x14880] =	vst v63  }
0xd8: {  	s25 =	simm.s32 $0xA080  }
0xd9: {  	[tilespmem:s25], [sflag:$0x1] =	stream.indirect_vreg.gather [hbm4b:s19+s3], $0x80, v2, vm0, $0xb8;
	[tilespmem:$0x14880] =	vst v63  }
0xda: {  	s25 =	simm.s32 $0xA880  }
0xdb: {  	[tilespmem:s25], [sflag:$0x1] =	stream.indirect_vreg.gather [hbm4b:s20+s3], $0x80, v2, vm0, $0xb8;
	[tilespmem:$0x14880] =	vst v63  }
0xdc: {  	s25 =	simm.s32 $0xB080  }
0xdd: {  	[tilespmem:s25], [sflag:$0x1] =	stream.indirect_vreg.gather [hbm4b:s21+s3], $0x80, v2, vm0, $0xb8;
	[tilespmem:$0x14880] =	vst v63  }
0xde: {  	s25 =	simm.s32 $0xB880  }
0xdf: {  	[tilespmem:s25], [sflag:$0x1] =	stream.indirect_vreg.gather [hbm4b:s22+s3], $0x80, v2, vm0, $0xb8;
	[tilespmem:$0x14880] =	vst v63  }
0xe0: {  	s25 =	simm.s32 $0xC080  }
0xe1: {  	[tilespmem:s25], [sflag:$0x1] =	stream.indirect_vreg.gather [hbm4b:s26+s3], $0x80, v2, vm0, $0xb8;
	[tilespmem:$0x14880] =	vst v63  }
0xe2: {  	_ =	swait.ge [sflag:s0], $0x8000  }
0xe3: {  	[sflag:s0] =	ssyncset.done $0x0  }
0xe4: {  	[sflag:s0] =	ssyncadd.s32 $0xFFFF8000  }
0xe5: {  	v2 =	vld.msk [tilespmem:s23+$0x380], $0xf;
	_ =	sdelay $0x4  }
0xe6: {  	v3 =	vshll.u32 v2, $0x6  }
0xe7: {  	v2 =	vand.u32 $0x7, v2;
	v3 =	vand.u32 $0xFFFFFE00, v3  }
0xe8: {  	v2 =	vor.u32 v2, v3  }
0xe9: {  	v2 =	vperm.xlane v2, v0;
	_ =	sdelay $0x1  }
0xea: {  	v2 =	vadd.s32 v1, v2;
	_ =	sdelay $0x4  }
0xeb: {  	[tilespmem:s8], [sflag:$0x2] =	stream.indirect_vreg.gather [hbm4b:s1+s3], $0x80, v2, vm0, $0xb8;
	[tilespmem:$0x14880] =	vst v63  }
0xec: {  	s25 =	simm.s32 $0xD080  }
0xed: {  	[tilespmem:s25], [sflag:$0x2] =	stream.indirect_vreg.gather [hbm4b:s9+s3], $0x80, v2, vm0, $0xb8;
	[tilespmem:$0x14880] =	vst v63  }
0xee: {  	s25 =	simm.s32 $0xD880  }
0xef: {  	[tilespmem:s25], [sflag:$0x2] =	stream.indirect_vreg.gather [hbm4b:s10+s3], $0x80, v2, vm0, $0xb8;
	[tilespmem:$0x14880] =	vst v63  }
0xf0: {  	s25 =	simm.s32 $0xE080  }
0xf1: {  	[tilespmem:s25], [sflag:$0x2] =	stream.indirect_vreg.gather [hbm4b:s11+s3], $0x80, v2, vm0, $0xb8;
	[tilespmem:$0x14880] =	vst v63  }
0xf2: {  	s25 =	simm.s32 $0xE880  }
0xf3: {  	[tilespmem:s25], [sflag:$0x2] =	stream.indirect_vreg.gather [hbm4b:s12+s3], $0x80, v2, vm0, $0xb8;
	[tilespmem:$0x14880] =	vst v63  }
0xf4: {  	s25 =	simm.s32 $0xF080  }
0xf5: {  	[tilespmem:s25], [sflag:$0x2] =	stream.indirect_vreg.gather [hbm4b:s13+s3], $0x80, v2, vm0, $0xb8;
	[tilespmem:$0x14880] =	vst v63  }
0xf6: {  	s25 =	simm.s32 $0xF880  }
0xf7: {  	[tilespmem:s25], [sflag:$0x2] =	stream.indirect_vreg.gather [hbm4b:s14+s3], $0x80, v2, vm0, $0xb8;
	[tilespmem:$0x14880] =	vst v63  }
0xf8: {  	s25 =	simm.s32 $0x10080  }
0xf9: {  	[tilespmem:s25], [sflag:$0x2] =	stream.indirect_vreg.gather [hbm4b:s15+s3], $0x80, v2, vm0, $0xb8;
	[tilespmem:$0x14880] =	vst v63  }
0xfa: {  	s25 =	simm.s32 $0x10880  }
0xfb: {  	[tilespmem:s25], [sflag:$0x2] =	stream.indirect_vreg.gather [hbm4b:s16+s3], $0x80, v2, vm0, $0xb8;
	[tilespmem:$0x14880] =	vst v63  }
0xfc: {  	s25 =	simm.s32 $0x11080  }
0xfd: {  	[tilespmem:s25], [sflag:$0x2] =	stream.indirect_vreg.gather [hbm4b:s17+s3], $0x80, v2, vm0, $0xb8;
	[tilespmem:$0x14880] =	vst v63  }
0xfe: {  	s25 =	simm.s32 $0x11880  }
0xff: {  	[tilespmem:s25], [sflag:$0x2] =	stream.indirect_vreg.gather [hbm4b:s18+s3], $0x80, v2, vm0, $0xb8;
	[tilespmem:$0x14880] =	vst v63  }
0x100: {  	s25 =	simm.s32 $0x12080  }
0x101: {  	[tilespmem:s25], [sflag:$0x2] =	stream.indirect_vreg.gather [hbm4b:s19+s3], $0x80, v2, vm0, $0xb8;
	[tilespmem:$0x14880] =	vst v63  }
0x102: {  	s25 =	simm.s32 $0x12880  }
0x103: {  	[tilespmem:s25], [sflag:$0x2] =	stream.indirect_vreg.gather [hbm4b:s20+s3], $0x80, v2, vm0, $0xb8;
	[tilespmem:$0x14880] =	vst v63  }
0x104: {  	s25 =	simm.s32 $0x13080  }
0x105: {  	[tilespmem:s25], [sflag:$0x2] =	stream.indirect_vreg.gather [hbm4b:s21+s3], $0x80, v2, vm0, $0xb8;
	[tilespmem:$0x14880] =	vst v63  }
.Ltmp4:
0x106: {  	_ = 	snop;
	(pc) =	sbr.rel .LBB2_4-.Ltmp4, $4  }
0x107: {  	s25 =	simm.s32 $0x13880  }
0x108: {  	[tilespmem:s25], [sflag:$0x2] =	stream.indirect_vreg.gather [hbm4b:s22+s3], $0x80, v2, vm0, $0xb8;
	[tilespmem:$0x14880] =	vst v63  }
0x109: {  	s6 =	sadd.s32 $0x400, s6;
	s7 =	sadd.s32 $0x2000, s7;
	s25 =	simm.s32 $0x14080  }
0x10a: {  	[tilespmem:s25], [sflag:$0x2] =	stream.indirect_vreg.gather [hbm4b:s26+s3], $0x80, v2, vm0, $0xb8;
	[tilespmem:$0x14880] =	vst v63  }
.LBB2_7:
0x10b: {  	_ =	sfence.sel $0x180000  }
0x10c: {  	[bflag:$0x0] =	sbarrier.arrive $0xFFFF  }
0x10d: {  	_ =	strace $0x9000004A  }
0x10e: {  	s0 =	stileid.u32;
	[bflag:$0x2] =	sbarrier.arrive $0xFFFF  }
0x10f: {  	p0 =	sne.s32 s0, $0x0;
	s0 =	rddreg [dreg:$0x3]  }
0x110: {  	s0 =	sadd.s32 @!p0 $0x100000, s0  }
0x111: {  	[sflag:s0] =	ssyncadd.tile.s32 @!p0 $0x1;
	_ =	shalt  }
.Lfunc_end2:
_tile_overlayer_lowered:
.L_overlay_start_2:
0x112: {  	(tag) =	ssettag $0x2  }
0x113: {  	s0 =	rddreg [dreg:$0x0];
	s2 =	stileid.u32  }
0x114: {  	s1 =	rddreg [dreg:$0x1];
	p0 =	sne.s32 s2, $0x0  }
0x115: {  	s3 =	rddreg [dreg:$0x2];
	[bflag:$0x3] =	sbarrier.arrive $0xFFFF;
	s2 =	simm.s32 @!p0 $0x1C06  }
0x116: {  	[timem:s3], [sflag:s2] =	dma.local @!p0 [hbm:s0], s1  }
0x117: {  	s0 =	simm.s32 @!p0 $0x6  }
0x118: {  	_ =	swait.ge @!p0 [sflag:s0], s1  }
0x119: {  	s1 =	ssub.s32 @!p0 $0x0, s1;
	[sflag:s0] =	ssyncset.done @!p0 $0x0  }
0x11a: {  	[sflag:s0] =	ssyncadd.s32 @!p0 s1  }
0x11b: {  	[bflag:$0x3] =	sbarrier.arrive $0xFFFF  }
0x11c: {  	_ =	shalt  }

// kernel: sparse-core-data-format-call.cloned.1.call-start
scs
called_computation_lowered:
.L_overlay_start_0:
0x0: {  	s2 =	sld [smem:$0x3FD9]  }
0x1: {  	s3 =	sld [smem:$0x3FFE];
	_ =	sdelay $0x1  }
0x2: {  	s1 =	srdreg.scid  }
0x3: {  	s0 =	sand.u32 $0x1, s1  }
0x4: {  	s18 =	sshll.u32 s0, $0xA;
	s2 =	sadd.s32 s3, s2  }
0x5: {  	s2 =	sadd.s32 s2, s18  }
0x6: {  	[smem:$0x3FC5] =	sst s2  }
0x7: {  	_ = 	snop  }
0x8: {  	s2 =	sld [smem:$0x3FC7];
	(tm) =	ssettm $0x1  }
0x9: {  	s19 =	sld [smem:$0x3FFB];
	_ =	sdelay $0x3  }
0xa: {  	_ =	strace s19  }
0xb: {  	s3 =	sld [smem:$0x3FFC];
	_ =	sdelay $0x3  }
0xc: {  	_ =	strace s3  }
0xd: {  	s3 =	sld [smem:$0x3FFD];
	_ =	sdelay $0x3  }
0xe: {  	_ =	strace s3  }
0xf: {  	_ =	strace $0x8FFFFFFF  }
0x10: {  	s20 =	sld [smem:$0x3FDB];
	_ =	sdelay $0x1  }
0x11: {  	s4 =	simm.s32 $_scs_section_size  }
0x12: {  	s5 =	simm.s32 $_size__tile_overlayer_lowered;
	s6 =	simm.s32 $_tile_overlayer_lowered  }
0x13: {  	s23 =	simm.s32 $0x1BFF;
	s22 =	sshll.u32 s6, $0x1;
	s3 =	sadd.s32 s4, s20  }
0x14: {  	s7 =	simm.s32 $0x0;
	s21 =	sshll.u32 s5, $0x1;
	s5 =	sadd.s32 s22, s3  }
0x15: {  	[timem:s7], [sflag:s23] =	dma.local [hbm:s5], s21  }
0x16: {  	_ =	swait.ge [sflag:s23], s21  }
0x17: {  	s4 =	ssub.s32 $0x0, s21;
	[sflag:s23] =	ssyncset.done $0x0  }
0x18: {  	[sflag:s23] =	ssyncadd.s32 s4;
	_ =	sdelay $0x1  }
0x19: {  	s24 =	simm.s32 $0x1B8B  }
0x1a: {  	_ =	swait.ge [sflag:s24], $0x1  }
0x1b: {  	[sflag:s24] =	ssyncset.done $0x0  }
0x1c: {  	s26 =	simm.s32 $0x1B8E;
	s25 =	sld [smem:$0x3FFE];
	[sflag:s24] =	ssyncadd.s32 $0xFFFFFFFF  }
0x1d: {  	s27 =	simm.s32 $execute0_lowered;
	[smem:$0x3FD2] =	sst s26  }
0x1e: {  	s5 =	sshll.u32 s27, $0x1;
	_ =	strace $0x80000046;
	[dreg:$0x1] =	wrdreg $0xFFFFFFFF  }
0x1f: {  	s28 =	simm.s32 $_size_execute0_lowered;
	s3 =	sadd.s32 s3, s5;
	[dreg:$0x0] =	wrdreg $0x0  }
0x20: {  	s5 =	sshll.u32 s28, $0x1;
	[dreg:$0x2] =	wrdreg s3  }
0x21: {  	[dreg:$0x3] =	wrdreg s5  }
0x22: {  	[dreg:$0x4] =	wrdreg $0xC0  }
0x23: {  	_ =	task [dreg:s7], $0x5FFFF  }
0x24: {  	[dreg:$0x1] =	wrdreg $0xFFFFFFFF  }
0x25: {  	[dreg:$0x0] =	wrdreg $0x60  }
0x26: {  	[dreg:$0x2] =	wrdreg s2  }
0x27: {  	[dreg:$0x3] =	wrdreg s25  }
0x28: {  	[dreg:$0x4] =	wrdreg $0x9  }
0x29: {  	_ =	task.clear_ibuf [dreg:s7], $0x5FFFF;
	_ =	strace $0x90000046  }
0x2a: {  	s29 =	simm.s32 $0x9;
	_ =	strace $0x80000048  }
0x2b: {  	_ =	swait.ge [sflag:s29], $0x1  }
0x2c: {  	[sflag:s29] =	ssyncadd.s32 $0xFFFFFFFF  }
0x2d: {  	_ =	strace $0x90000048  }
0x2e: {  	_ =	sfence  }
0x2f: {  	s30 =	sld [smem:$0x0];
	_ =	sdelay $0x2  }
0x30: {  	s31 =	sshll.u32 s1, $0xD;
	s1 =	sshrl.u32 s1, $0x2  }
0x31: {  	s3 =	sand.u32 $0x4000, s31;
	s1 =	sadd.s32 s1, s30  }
0x32: {  	s0 =	sor.u32 s3, s0;
	s1 =	sshll.u32 s1, $0x11  }
0x33: {  	s0 =	sor.u32 s1, s0  }
0x34: {  	s0 =	sadd.s32 $0x8F2B, s0  }
0x35: {  	[sflag:s0] =	ssyncadd.remote.s32 $0x1  }
0x36: {  	_ =	sfence.sel $0xFFFF  }
0x37: {  	[dreg:$0x0] =	wrdreg $0xFFFFFFFF;
	(pc) =	sbr.abs _section_cstart, $3  }
0x38: {  	[dreg:$0x1] =	wrdreg $0xFFFFFFFF  }
0x39: {  	_ =	task.clear_ibuf [dreg:s7], $0x2FFFF;
	_ =	strace $0x9FFFFFFF  }
0x3a: {  	(tm) =	ssettm $0x7FFFFFFF  }
0x3b: {  	_ =	shalt  }
tec
execute0_lowered:
.L_overlay_start_1:
0x0: {  	(tag) =	ssettag $0x1  }
0x1: {  	s2 =	rddreg [dreg:$0x0]  }
0x2: {  	s1 =	rddreg [dreg:$0x1]  }
0x3: {  	s0 =	rddreg [dreg:$0x2];
	_ =	strace $0x80000047;
	s4 =	srdreg.scid  }
0x4: {  	s6 =	simm.s32 $0x2;
	s11 =	simm.s32 $0x0;
	p0 =	por $0x0, $0x0  }
.Ltmp0:
0x5: {  	s7 =	simm.s32 $0x2000;
	s12 =	simm.s32 $0x0;
	(pc) =	sbr.rel .LBB1_1-.Ltmp0, $4  }
0x6: {  	s9 =	simm.s32 $0x0;
	s3 =	sadd.s32 $0x800, s1;
	s5 =	sshll.u32 s4, $0x4  }
0x7: {  	s1 =	stileid.u32;
	s4 =	simm.s32 $0x1;
	s5 =	sand.u32 $0x10, s5  }
0x8: {  	s8 =	simm.s32 $0x0;
	[sflag:s4] =	ssyncpa.u1 $0x0;
	s5 =	sor.u32 s1, s5  }
0x9: {  	[sflag:s6] =	ssyncpa.u1 $0x0;
	s6 =	simm.s32 $0x800;
	s10 =	smov.u32 s5  }
.LBB1_7:
0xa: {  	s13 =	sadd.s32 $0x10, s9  }
0xb: {  	s11 =	sadd.s32 $0x20, s10;
	s15 =	smov.u32 s10;
	p2 =	sgt.s32 s13, $0x3F  }
0xc: {  	p1 =	slt.u32 s8, $0x2;
	s15 =	smov.u32 @p2 s11  }
0xd: {  	s8 =	sadd.s32 $0x1, s8;
	s13 =	simm.s32 @p2 $0x0;
	p2 =	sgt.s32 s15, $0x3FF  }
0xe: {  	s15 =	smov.u32 @p2 s5;
	p2 =	sne.s32 s8, $0x82  }
.Ltmp1:
0xf: {  	_ = 	snop;
	(pc) =	sbr.rel @!p2 .LBB1_8-.Ltmp1, $4  }
0x10: {  	s14 =	simm.s32 @!p1 $0x2  }
0x11: {  	s12 =	smov.u32 s10;
	_ =	swait.ge @!p1 [sflag:s14], $0x4000  }
0x12: {  	p0 =	por !p0, !p0;
	s11 =	smov.u32 s9;
	[sflag:s14] =	ssyncset.done @!p1 $0x0  }
0x13: {  	s9 =	smov.u32 s13;
	[sflag:s14] =	ssyncadd.s32 @!p1 $0xFFFFC000;
	s10 =	smov.u32 s15  }
.LBB1_1:
0x14: {  	p1 =	sgt.u32 s8, $0x7F  }
0x15: {  	s13 =	sxor.u32 @!p1 $0xFFFFFFFF, s8;
	s14 =	sshll.u32 @!p1 s10, $0xD  }
0x16: {  	s15 =	sshll.u32 @!p1 s9, $0x7;
	s13 =	sshll.u32 @!p1 s13, $0xE;
	s14 =	sadd.s32 @!p1 s2, s14  }
0x17: {  	s13 =	sand.u32 @!p1 $0x4000, s13;
	s14 =	sadd.s32 @!p1 s15, s14;
	s15 =	simm.s32 @!p1 $0x0  }
0x18: {  	[tilespmem:s13], [sflag:$0x1] =	stream.linear.gather @!p1 [hbm4b:s14+s15], $0x4000, $0x38;
	[tilespmem:$0x10000] =	vst v63  }
0x19: {  	p1 =	seq.s32 s8, $0x0  }
0x1a: {  	p2 =	seq.s32 @!p1 s8, $0x81  }
0x1b: {  	p1 =	por p1, p2  }
.Ltmp2:
0x1c: {  	_ = 	snop;
	(pc) =	sbr.rel @p1 .LBB1_7-.Ltmp2, $1  }
0x1d: {  	_ =	sdelay $0x3  }
0x1e: {  	s13 =	simm.s32 $0x1;
	_ =	swait.ge [sflag:s4], $0x4000;
	s16 =	sshll.u32 s8, $0xE  }
0x1f: {  	s13 =	simm.s32 @!p0 $0x0;
	[sflag:s4] =	ssyncset.done $0x0;
	s31 =	sand.u32 $0x4000, s16  }
0x20: {  	s16 =	simm.s32 $0x0;
	s14 =	sshll.u32 s13, $0xE;
	[sflag:s4] =	ssyncadd.s32 $0xFFFFC000  }
0x21: {  	s13 =	sor.u32 $0x8040, s14;
	s15 =	sor.u32 $0x40, s14;
	s14 =	sor.u32 $0x8000, s31  }
.LBB1_3:
0x22: {  	v0 =	vmov s15;
	_ =	sdelay $0x3  }
0x23: {  	s18 =	simm.s32 $0x0  }
0x24: {  	v6 =	vld.idx.msk [tilespmem:v0+s18+$0x30 ss:$0x1], $0xffff  }
0x25: {  	v7 =	vld.idx.msk [tilespmem:v0+s18+$0xFFFFFFC0 ss:$0x1], $0xffff  }
0x26: {  	v5 =	vld.idx.msk [tilespmem:v0+s18+$0xFFFFFFD0 ss:$0x1], $0xffff  }
0x27: {  	v4 =	vld.idx.msk [tilespmem:v0+s18+$0xFFFFFFE0 ss:$0x1], $0xffff  }
0x28: {  	v3 =	vld.idx.msk [tilespmem:v0+s18+$0xFFFFFFF0 ss:$0x1], $0xffff  }
0x29: {  	v1 =	vld.idx.msk [tilespmem:v0+s18+$0x0 ss:$0x1], $0xffff  }
0x2a: {  	v2 =	vld.idx.msk [tilespmem:v0+s18+$0x10 ss:$0x1], $0xffff;
	[tilespmem:s13+$0x30] =	vst v6  }
0x2b: {  	s17 =	simm.s32 $0x80;
	s19 =	simm.s32 $0x400;
	[tilespmem:s13+$0xFFFFFFC0] =	vst v7;
	v6 =	vld.idx.msk [tilespmem:v0+s18+$0x20 ss:$0x1], $0xffff;
	s18 =	smov.u32 s13  }
.LBB1_4:
0x2c: {  	p1 =	sne.s32 s19, $0xE00;
	v7 =	vld.idx.msk [tilespmem:v0+s17+$0x30 ss:$0x1], $0xffff;
	[tilespmem:s18+$0xFFFFFFD0] =	vst v5  }
0x2d: {  	v8 =	vld.idx.msk [tilespmem:v0+s17+$0xFFFFFFC0 ss:$0x1], $0xffff;
	[tilespmem:s18+$0xFFFFFFE0] =	vst v4  }
0x2e: {  	v5 =	vld.idx.msk [tilespmem:v0+s17+$0xFFFFFFD0 ss:$0x1], $0xffff;
	[tilespmem:s18+$0xFFFFFFF0] =	vst v3  }
.Ltmp3:
0x2f: {  	v4 =	vld.idx.msk [tilespmem:v0+s17+$0xFFFFFFE0 ss:$0x1], $0xffff;
	[tilespmem:s18+$0x0] =	vst v1;
	(pc) =	sbr.rel @p1 .LBB1_4-.Ltmp3, $4  }
0x30: {  	v3 =	vld.idx.msk [tilespmem:v0+s17+$0xFFFFFFF0 ss:$0x1], $0xffff;
	[tilespmem:s18+$0x10] =	vst v2  }
0x31: {  	v1 =	vld.idx.msk [tilespmem:v0+s17+$0x0 ss:$0x1], $0xffff;
	[tilespmem:s18+$0x20] =	vst v6;
	s18 =	sadd.s32 $0x800, s18  }
0x32: {  	v2 =	vld.idx.msk [tilespmem:v0+s17+$0x10 ss:$0x1], $0xffff;
	[tilespmem:s18+$0x30] =	vst v7  }
0x33: {  	[tilespmem:s18+$0xFFFFFFC0] =	vst v8;
	v6 =	vld.idx.msk [tilespmem:v0+s17+$0x20 ss:$0x1], $0xffff;
	s17 =	sshra.s32 s19, $0x2;
	s19 =	sadd.s32 $0x200, s19  }
0x34: {  	_ =	sdelay $0x2  }
0x35: {  	[tilespmem:s18+$0xFFFFFFD0] =	vst v5  }
0x36: {  	v56 =	vld.idx.msk [tilespmem:v0+s17+$0x30 ss:$0x1], $0xffff;
	[tilespmem:s18+$0xFFFFFFE0] =	vst v4  }
0x37: {  	v57 =	vld.idx.msk [tilespmem:v0+s17+$0xFFFFFFC0 ss:$0x1], $0xffff;
	[tilespmem:s18+$0xFFFFFFF0] =	vst v3  }
0x38: {  	v58 =	vld.idx.msk [tilespmem:v0+s17+$0xFFFFFFD0 ss:$0x1], $0xffff;
	[tilespmem:s18+$0x0] =	vst v1  }
0x39: {  	v59 =	vld.idx.msk [tilespmem:v0+s17+$0xFFFFFFE0 ss:$0x1], $0xffff;
	[tilespmem:s18+$0x10] =	vst v2  }
0x3a: {  	v60 =	vld.idx.msk [tilespmem:v0+s17+$0xFFFFFFF0 ss:$0x1], $0xffff;
	s31 =	sadd.s32 $0x800, s18;
	[tilespmem:s18+$0x20] =	vst v6  }
0x3b: {  	v61 =	vld.idx.msk [tilespmem:v0+s17+$0x0 ss:$0x1], $0xffff;
	[tilespmem:s31+$0x30] =	vst v56  }
0x3c: {  	v62 =	vld.idx.msk [tilespmem:v0+s17+$0x10 ss:$0x1], $0xffff;
	s16 =	sadd.s32 $0x1, s16;
	[tilespmem:s31+$0xFFFFFFC0] =	vst v57  }
0x3d: {  	v63 =	vld.idx.msk [tilespmem:v0+s17+$0x20 ss:$0x1], $0xffff;
	p1 =	sne.s32 s16, $0x10;
	[tilespmem:s31+$0xFFFFFFD0] =	vst v58  }
.Ltmp4:
0x3e: {  	[tilespmem:s31+$0xFFFFFFE0] =	vst v59;
	(pc) =	sbr.rel @p1 .LBB1_3-.Ltmp4, $4  }
0x3f: {  	[tilespmem:s31+$0xFFFFFFF0] =	vst v60  }
0x40: {  	[tilespmem:s31+$0x0] =	vst v61  }
0x41: {  	[tilespmem:s31+$0x10] =	vst v62  }
0x42: {  	s13 =	sadd.s32 $0x80, s13;
	s15 =	sadd.s32 $0x400, s15;
	[tilespmem:s31+$0x20] =	vst v63  }
.Ltmp5:
0x43: {  	(pc) =	sbr.rel .LBB1_7-.Ltmp5, $4  }
0x44: {  	s12 =	sshll.u32 s12, $0xD;
	s11 =	sshll.u32 s11, $0x4  }
0x45: {  	s11 =	sand.u32 $0x3F0, s11;
	s12 =	sadd.s32 s3, s12  }
0x46: {  	s11 =	sadd.s32 s11, s12  }
0x47: {  	[hbm4b:s11+s6] =	stream.strided.scatter [tilespmem:s14], [sflag:$0x2], $0x4000, s7, s6, $0x38;
	[tilespmem:$0x10000] =	vst v63  }
.LBB1_8:
0x48: {  	_ =	sfence.sel $0x180000  }
0x49: {  	s2 =	simm.s32 $0x1;
	[bflag:$0x0] =	sbarrier.arrive $0xFFFF  }
0x4a: {  	s31 =	simm.s32 $0x2;
	[sflag:s2] =	ssyncpa.u1 $0x1  }
0x4b: {  	[sflag:s31] =	ssyncpa.u1 $0x1  }
0x4c: {  	p0 =	sne.s32 s1, $0x0;
	_ =	strace $0x90000047  }
0x4d: {  	s0 =	sadd.s32 @!p0 $0x100000, s0;
	[bflag:$0x2] =	sbarrier.arrive $0xFFFF  }
0x4e: {  	[sflag:s0] =	ssyncadd.tile.s32 @!p0 $0x1;
	_ =	shalt  }
.Lfunc_end1:
_tile_overlayer_lowered:
.L_overlay_start_2:
0x4f: {  	(tag) =	ssettag $0x2  }
0x50: {  	s0 =	rddreg [dreg:$0x0];
	s2 =	stileid.u32  }
0x51: {  	s1 =	rddreg [dreg:$0x1];
	p0 =	sne.s32 s2, $0x0  }
0x52: {  	s3 =	rddreg [dreg:$0x2];
	[bflag:$0x3] =	sbarrier.arrive $0xFFFF;
	s2 =	simm.s32 @!p0 $0x1C01  }
0x53: {  	[timem:s3], [sflag:s2] =	dma.local @!p0 [hbm:s0], s1  }
0x54: {  	s0 =	simm.s32 @!p0 $0x1  }
0x55: {  	_ =	swait.ge @!p0 [sflag:s0], s1  }
0x56: {  	s1 =	ssub.s32 @!p0 $0x0, s1;
	[sflag:s0] =	ssyncset.done @!p0 $0x0  }
0x57: {  	[sflag:s0] =	ssyncadd.s32 @!p0 s1  }
0x58: {  	[bflag:$0x3] =	sbarrier.arrive $0xFFFF  }
0x59: {  	_ =	shalt  }

</sc_bundles>
